<compile_context>
chip_gen: v7x
topology: tpu7x:2x2x1
jax: 0.10.2.dev20260603
libtpu: 0.0.44.dev20260713+nightly
codegen_flags: <defaults>
</compile_context>

<pallas_src>
import functools

import jax
import jax.numpy as jnp
from jax import lax
from jax.experimental import pallas as pl
from jax.experimental.pallas import tpu as pltpu
from jax.experimental.pallas import tpu_sc as plsc

_NUM_CORES = 2
_NUM_SUBCORES = 16
_NW = _NUM_CORES * _NUM_SUBCORES

_C = 128
_K = 5


def _gather_rows(table, idx_2d, n_rows, d):
    gc = _C * _K
    b_per_w = n_rows // _NW
    n_groups = b_per_w // gc
    chunks_per_w = b_per_w // _C
    mesh = plsc.VectorSubcoreMesh(core_axis_name="c", subcore_axis_name="s")

    @functools.partial(
        pl.kernel,
        mesh=mesh,
        out_type=jax.ShapeDtypeStruct((n_rows, d), jnp.float32),
        compiler_params=pltpu.CompilerParams(use_tc_tiling_on_sc=False),
        scratch_types=[
            pltpu.VMEM((2, _K, _C), jnp.int32),
            pltpu.VMEM((2, gc, d), jnp.float32),
            pltpu.SemaphoreType.DMA((2,)),
        ],
    )
    def gather_kernel(table_hbm, idx_hbm, out_hbm, idx_v, rows_v, sem):
        wid = lax.axis_index("s") * _NUM_CORES + lax.axis_index("c")
        row_base = wid * b_per_w
        chunk_base = wid * chunks_per_w

        def fire(g, buf):
            pltpu.sync_copy(idx_hbm.at[pl.ds(chunk_base + g * _K, _K)],
                            idx_v.at[buf])
            for j in range(_K):
                pltpu.async_copy(table_hbm.at[idx_v.at[buf, j]],
                                 rows_v.at[buf, pl.ds(j * _C, _C)],
                                 sem.at[buf])

        def drain(g, buf):
            pltpu.make_async_copy(table_hbm.at[pl.ds(0, gc)],
                                  rows_v.at[buf], sem.at[buf]).wait()
            pltpu.sync_copy(rows_v.at[buf],
                            out_hbm.at[pl.ds(row_base + g * gc, gc)])

        fire(0, 0)

        def body(g, carry):
            buf = lax.rem(g, 2)
            fire(g + 1, 1 - buf)
            drain(g, buf)
            return carry

        lax.fori_loop(0, n_groups - 1, body, 0)
        drain(n_groups - 1, (n_groups - 1) % 2)

    return gather_kernel(table, idx_2d)


def kernel(position_labels, pos_embedding_weight):
    b, s = position_labels.shape
    v, d = pos_embedding_weight.shape
    n_rows = b * s
    idx_2d = position_labels.reshape(n_rows // _C, _C).astype(jnp.int32)
    out = _gather_rows(pos_embedding_weight, idx_2d, n_rows, d)
    return out.reshape(b, s, d)

# --- scband reference (transcript-rebuilt; emitter-appended) ---
"""Pipeline reference for scband-sketch-learn-position-embedding-72387378807056 (READ-ONLY COPY).

The authoritative reference and input builder live on the scoring server;
editing this copy changes nothing except your own understanding.
"""

import jax, jax.numpy as jnp
import numpy as np

MAX_LENGTH = 100000
POS_HIDDEN_DIM = 64

def setup_inputs(seed: int = 0) -> dict:
    key = jax.random.key(seed)
    k1, k2 = jax.random.split(key)
    position_labels = jax.random.randint(k1, (4096, 200), 0, MAX_LENGTH, dtype=jnp.int64 if jax.config.read('jax_enable_x64') else jnp.int32)
    pos_embedding_weight = jax.random.normal(k2, (MAX_LENGTH, POS_HIDDEN_DIM), dtype=jnp.float32)
    return {"position_labels": position_labels, "pos_embedding_weight": pos_embedding_weight}

def reference(position_labels, pos_embedding_weight):
    # nn.Embedding lookup: gather rows of the table by index
    return jnp.take(pos_embedding_weight, position_labels, axis=0)

if __name__ == "__main__":
    import jax
    _d = setup_inputs()
    print(jax.jit(kernel)(*tuple(_d.values())))

</pallas_src>

<mosaic_0001>
#map = affine_map<(d0, d1) -> (0, 0)>
module attributes {stable_mosaic.version = 14 : i64} {
  func.func @gather_kernel(%arg0: i32, %arg1: i32, %arg2: memref<100000x64xf32, #tpu.memory_space<hbm>>, %arg3: memref<6400x128xi32, #tpu.memory_space<hbm>>, %arg4: memref<819200x64xf32, #tpu.memory_space<hbm>>, %arg5: memref<2x5x128xi32, #tpu.memory_space<vmem>>, %arg6: memref<2x640x64xf32, #tpu.memory_space<vmem>>, %arg7: memref<2x!tpu.dma_semaphore, #tpu.memory_space<semaphore_mem>>) attributes {dimension_semantics = [#tpu.dimension_semantics<core_parallel>, #tpu.dimension_semantics<subcore_parallel>], iteration_bounds = array<i64: 2, 16>, scalar_prefetch = 0 : i64, scratch_operands = 3 : i64, tpu.core_type = #tpu.core_type<sc_vector_subcore>, window_params = [{transform_indices = #map}, {transform_indices = #map}, {transform_indices = #map}]} {
    %mul3A = arith.constant 2 : i32
    %mul3A_0 = arith.muli %arg1, %mul3A : i32
    %add3A = arith.addi %mul3A_0, %arg0 : i32
    %mul3A_1 = arith.constant 25600 : i32
    %mul3A_2 = arith.muli %add3A, %mul3A_1 : i32
    %mul3A_3 = arith.constant 200 : i32
    %mul3A_4 = arith.muli %add3A, %mul3A_3 : i32
    %add3A_5 = arith.constant 0 : i32
    %add3A_6 = arith.addi %mul3A_4, %add3A_5 : i32
    %run_scoped3A = arith.constant 0 : i32
    "tpu.region"() ({
      %run_scoped3A_111 = tpu.sem_alloc : memref<!tpu.dma_semaphore, #tpu.memory_space<semaphore_mem>>
      %dma_start3A_112 = arith.constant 0 : i32
      %dma_start3A_113 = arith.constant 0 : i32
      %dma_start3A_114 = tpu.memref_slice %arg5[%run_scoped3A, %dma_start3A_112, %dma_start3A_113] : memref<2x5x128xi32, #tpu.memory_space<vmem>> -> memref<1x5x128xi32, #tpu.memory_space<vmem>>
      %dma_start3A_115 = tpu.memref_squeeze %dma_start3A_114 : memref<1x5x128xi32, #tpu.memory_space<vmem>> -> memref<5x128xi32, #tpu.memory_space<vmem>>
      %dma_start3A_116 = arith.constant 0 : i32
      %dma_start3A_117 = tpu.memref_slice %arg3[%add3A_6, %dma_start3A_116] : memref<6400x128xi32, #tpu.memory_space<hbm>> -> memref<5x128xi32, #tpu.memory_space<hbm>>
      %dma_start3A_118 = arith.constant 0 : i32
      %dma_start3A_119 = arith.constant 0 : i32
      %dma_start3A_120 = tpu.memref_slice %arg5[%run_scoped3A, %dma_start3A_118, %dma_start3A_119] : memref<2x5x128xi32, #tpu.memory_space<vmem>> -> memref<1x5x128xi32, #tpu.memory_space<vmem>>
      %dma_start3A_121 = tpu.memref_squeeze %dma_start3A_120 : memref<1x5x128xi32, #tpu.memory_space<vmem>> -> memref<5x128xi32, #tpu.memory_space<vmem>>
      %dma_start3A_122 = arith.constant 0 : i32
      %dma_start3A_123 = tpu.memref_slice %arg3[%add3A_6, %dma_start3A_122] : memref<6400x128xi32, #tpu.memory_space<hbm>> -> memref<5x128xi32, #tpu.memory_space<hbm>>
      tpu.enqueue_dma source(%dma_start3A_123 : memref<5x128xi32, #tpu.memory_space<hbm>>) target(%dma_start3A_121 : memref<5x128xi32, #tpu.memory_space<vmem>>) target_semaphore(%run_scoped3A_111 : memref<!tpu.dma_semaphore, #tpu.memory_space<semaphore_mem>>)
      %dma_wait3A_124 = arith.constant 0 : i32
      %dma_wait3A_125 = arith.constant 0 : i32
      %dma_wait3A_126 = tpu.memref_slice %arg5[%run_scoped3A, %dma_wait3A_124, %dma_wait3A_125] : memref<2x5x128xi32, #tpu.memory_space<vmem>> -> memref<1x5x128xi32, #tpu.memory_space<vmem>>
      %dma_wait3A_127 = tpu.memref_squeeze %dma_wait3A_126 : memref<1x5x128xi32, #tpu.memory_space<vmem>> -> memref<5x128xi32, #tpu.memory_space<vmem>>
      %dma_wait3A_128 = arith.constant 0 : i32
      %dma_wait3A_129 = tpu.memref_slice %arg3[%add3A_6, %dma_wait3A_128] : memref<6400x128xi32, #tpu.memory_space<hbm>> -> memref<5x128xi32, #tpu.memory_space<hbm>>
      %dma_wait3A_130 = arith.constant 0 : i32
      %dma_wait3A_131 = arith.constant 0 : i32
      %dma_wait3A_132 = tpu.memref_slice %arg5[%run_scoped3A, %dma_wait3A_130, %dma_wait3A_131] : memref<2x5x128xi32, #tpu.memory_space<vmem>> -> memref<1x5x128xi32, #tpu.memory_space<vmem>>
      %dma_wait3A_133 = tpu.memref_squeeze %dma_wait3A_132 : memref<1x5x128xi32, #tpu.memory_space<vmem>> -> memref<5x128xi32, #tpu.memory_space<vmem>>
      %dma_wait3A_134 = arith.constant 0 : i32
      %dma_wait3A_135 = tpu.memref_slice %arg3[%add3A_6, %dma_wait3A_134] : memref<6400x128xi32, #tpu.memory_space<hbm>> -> memref<5x128xi32, #tpu.memory_space<hbm>>
      tpu.wait_dma2 semaphore(%run_scoped3A_111 : memref<!tpu.dma_semaphore, #tpu.memory_space<semaphore_mem>>) src(%dma_wait3A_135 : memref<5x128xi32, #tpu.memory_space<hbm>>) dst(%dma_wait3A_133 : memref<5x128xi32, #tpu.memory_space<vmem>>)
      tpu.yield
    }) : () -> ()
    %dma_start3A = arith.constant 0 : i32
    %dma_start3A_7 = arith.constant 0 : i32
    %dma_start3A_8 = arith.constant 0 : i32
    %dma_start3A_9 = arith.constant 0 : i32
    %dma_start3A_10 = arith.constant 0 : i32
    %dma_start3A_11 = arith.constant 0 : i32
    %dma_start3A_12 = tpu.memref_slice %arg6[%dma_start3A_8, %dma_start3A_10, %dma_start3A_11] : memref<2x640x64xf32, #tpu.memory_space<vmem>> -> memref<1x128x64xf32, #tpu.memory_space<vmem>>
    %dma_start3A_13 = tpu.memref_squeeze %dma_start3A_12 : memref<1x128x64xf32, #tpu.memory_space<vmem>> -> memref<128x64xf32, #tpu.memory_space<vmem>>
    %dma_start3A_14 = arith.constant 0 : i32
    %dma_start3A_15 = tpu.memref_slice %arg5[%dma_start3A, %dma_start3A_7, %dma_start3A_14] : memref<2x5x128xi32, #tpu.memory_space<vmem>> -> memref<1x1x128xi32, #tpu.memory_space<vmem>>
    %dma_start3A_16 = tpu.memref_squeeze %dma_start3A_15 : memref<1x1x128xi32, #tpu.memory_space<vmem>> -> memref<128xi32, #tpu.memory_space<vmem>>
    %dma_start3A_17 = arith.constant 0 : i32
    %dma_start3A_18 = arith.constant 0 : i32
    %dma_start3A_19 = tpu.memref_slice %arg2[%dma_start3A_17, %dma_start3A_18] : memref<100000x64xf32, #tpu.memory_space<hbm>> -> memref<100000x64xf32, #tpu.memory_space<hbm>>
    %dma_start3A_20 = tpu.memref_slice %arg7[%dma_start3A_9] : memref<2x!tpu.dma_semaphore, #tpu.memory_space<semaphore_mem>> -> memref<1x!tpu.dma_semaphore, #tpu.memory_space<semaphore_mem>>
    %dma_start3A_21 = tpu.memref_squeeze %dma_start3A_20 : memref<1x!tpu.dma_semaphore, #tpu.memory_space<semaphore_mem>> -> memref<!tpu.dma_semaphore, #tpu.memory_space<semaphore_mem>>
    tpu.enqueue_indirect_dma source(%dma_start3A_19 : memref<100000x64xf32, #tpu.memory_space<hbm>>) target(%dma_start3A_13 : memref<128x64xf32, #tpu.memory_space<vmem>>) offsets(%dma_start3A_16 : memref<128xi32, #tpu.memory_space<vmem>>) semaphore(%dma_start3A_21 : memref<!tpu.dma_semaphore, #tpu.memory_space<semaphore_mem>>)
    %dma_start3A_22 = arith.constant 0 : i32
    %dma_start3A_23 = arith.constant 1 : i32
    %dma_start3A_24 = arith.constant 0 : i32
    %dma_start3A_25 = arith.constant 0 : i32
    %dma_start3A_26 = arith.constant 128 : i32
    %dma_start3A_27 = arith.constant 0 : i32
    %dma_start3A_28 = tpu.memref_slice %arg6[%dma_start3A_24, %dma_start3A_26, %dma_start3A_27] : memref<2x640x64xf32, #tpu.memory_space<vmem>> -> memref<1x128x64xf32, #tpu.memory_space<vmem>>
    %dma_start3A_29 = tpu.memref_squeeze %dma_start3A_28 : memref<1x128x64xf32, #tpu.memory_space<vmem>> -> memref<128x64xf32, #tpu.memory_space<vmem>>
    %dma_start3A_30 = arith.constant 0 : i32
    %dma_start3A_31 = tpu.memref_slice %arg5[%dma_start3A_22, %dma_start3A_23, %dma_start3A_30] : memref<2x5x128xi32, #tpu.memory_space<vmem>> -> memref<1x1x128xi32, #tpu.memory_space<vmem>>
    %dma_start3A_32 = tpu.memref_squeeze %dma_start3A_31 : memref<1x1x128xi32, #tpu.memory_space<vmem>> -> memref<128xi32, #tpu.memory_space<vmem>>
    %dma_start3A_33 = arith.constant 0 : i32
    %dma_start3A_34 = arith.constant 0 : i32
    %dma_start3A_35 = tpu.memref_slice %arg2[%dma_start3A_33, %dma_start3A_34] : memref<100000x64xf32, #tpu.memory_space<hbm>> -> memref<100000x64xf32, #tpu.memory_space<hbm>>
    %dma_start3A_36 = tpu.memref_slice %arg7[%dma_start3A_25] : memref<2x!tpu.dma_semaphore, #tpu.memory_space<semaphore_mem>> -> memref<1x!tpu.dma_semaphore, #tpu.memory_space<semaphore_mem>>
    %dma_start3A_37 = tpu.memref_squeeze %dma_start3A_36 : memref<1x!tpu.dma_semaphore, #tpu.memory_space<semaphore_mem>> -> memref<!tpu.dma_semaphore, #tpu.memory_space<semaphore_mem>>
    tpu.enqueue_indirect_dma source(%dma_start3A_35 : memref<100000x64xf32, #tpu.memory_space<hbm>>) target(%dma_start3A_29 : memref<128x64xf32, #tpu.memory_space<vmem>>) offsets(%dma_start3A_32 : memref<128xi32, #tpu.memory_space<vmem>>) semaphore(%dma_start3A_37 : memref<!tpu.dma_semaphore, #tpu.memory_space<semaphore_mem>>)
    %dma_start3A_38 = arith.constant 0 : i32
    %dma_start3A_39 = arith.constant 2 : i32
    %dma_start3A_40 = arith.constant 0 : i32
    %dma_start3A_41 = arith.constant 0 : i32
    %dma_start3A_42 = arith.constant 256 : i32
    %dma_start3A_43 = arith.constant 0 : i32
    %dma_start3A_44 = tpu.memref_slice %arg6[%dma_start3A_40, %dma_start3A_42, %dma_start3A_43] : memref<2x640x64xf32, #tpu.memory_space<vmem>> -> memref<1x128x64xf32, #tpu.memory_space<vmem>>
    %dma_start3A_45 = tpu.memref_squeeze %dma_start3A_44 : memref<1x128x64xf32, #tpu.memory_space<vmem>> -> memref<128x64xf32, #tpu.memory_space<vmem>>
    %dma_start3A_46 = arith.constant 0 : i32
    %dma_start3A_47 = tpu.memref_slice %arg5[%dma_start3A_38, %dma_start3A_39, %dma_start3A_46] : memref<2x5x128xi32, #tpu.memory_space<vmem>> -> memref<1x1x128xi32, #tpu.memory_space<vmem>>
    %dma_start3A_48 = tpu.memref_squeeze %dma_start3A_47 : memref<1x1x128xi32, #tpu.memory_space<vmem>> -> memref<128xi32, #tpu.memory_space<vmem>>
    %dma_start3A_49 = arith.constant 0 : i32
    %dma_start3A_50 = arith.constant 0 : i32
    %dma_start3A_51 = tpu.memref_slice %arg2[%dma_start3A_49, %dma_start3A_50] : memref<100000x64xf32, #tpu.memory_space<hbm>> -> memref<100000x64xf32, #tpu.memory_space<hbm>>
    %dma_start3A_52 = tpu.memref_slice %arg7[%dma_start3A_41] : memref<2x!tpu.dma_semaphore, #tpu.memory_space<semaphore_mem>> -> memref<1x!tpu.dma_semaphore, #tpu.memory_space<semaphore_mem>>
    %dma_start3A_53 = tpu.memref_squeeze %dma_start3A_52 : memref<1x!tpu.dma_semaphore, #tpu.memory_space<semaphore_mem>> -> memref<!tpu.dma_semaphore, #tpu.memory_space<semaphore_mem>>
    tpu.enqueue_indirect_dma source(%dma_start3A_51 : memref<100000x64xf32, #tpu.memory_space<hbm>>) target(%dma_start3A_45 : memref<128x64xf32, #tpu.memory_space<vmem>>) offsets(%dma_start3A_48 : memref<128xi32, #tpu.memory_space<vmem>>) semaphore(%dma_start3A_53 : memref<!tpu.dma_semaphore, #tpu.memory_space<semaphore_mem>>)
    %dma_start3A_54 = arith.constant 0 : i32
    %dma_start3A_55 = arith.constant 3 : i32
    %dma_start3A_56 = arith.constant 0 : i32
    %dma_start3A_57 = arith.constant 0 : i32
    %dma_start3A_58 = arith.constant 384 : i32
    %dma_start3A_59 = arith.constant 0 : i32
    %dma_start3A_60 = tpu.memref_slice %arg6[%dma_start3A_56, %dma_start3A_58, %dma_start3A_59] : memref<2x640x64xf32, #tpu.memory_space<vmem>> -> memref<1x128x64xf32, #tpu.memory_space<vmem>>
    %dma_start3A_61 = tpu.memref_squeeze %dma_start3A_60 : memref<1x128x64xf32, #tpu.memory_space<vmem>> -> memref<128x64xf32, #tpu.memory_space<vmem>>
    %dma_start3A_62 = arith.constant 0 : i32
    %dma_start3A_63 = tpu.memref_slice %arg5[%dma_start3A_54, %dma_start3A_55, %dma_start3A_62] : memref<2x5x128xi32, #tpu.memory_space<vmem>> -> memref<1x1x128xi32, #tpu.memory_space<vmem>>
    %dma_start3A_64 = tpu.memref_squeeze %dma_start3A_63 : memref<1x1x128xi32, #tpu.memory_space<vmem>> -> memref<128xi32, #tpu.memory_space<vmem>>
    %dma_start3A_65 = arith.constant 0 : i32
    %dma_start3A_66 = arith.constant 0 : i32
    %dma_start3A_67 = tpu.memref_slice %arg2[%dma_start3A_65, %dma_start3A_66] : memref<100000x64xf32, #tpu.memory_space<hbm>> -> memref<100000x64xf32, #tpu.memory_space<hbm>>
    %dma_start3A_68 = tpu.memref_slice %arg7[%dma_start3A_57] : memref<2x!tpu.dma_semaphore, #tpu.memory_space<semaphore_mem>> -> memref<1x!tpu.dma_semaphore, #tpu.memory_space<semaphore_mem>>
    %dma_start3A_69 = tpu.memref_squeeze %dma_start3A_68 : memref<1x!tpu.dma_semaphore, #tpu.memory_space<semaphore_mem>> -> memref<!tpu.dma_semaphore, #tpu.memory_space<semaphore_mem>>
    tpu.enqueue_indirect_dma source(%dma_start3A_67 : memref<100000x64xf32, #tpu.memory_space<hbm>>) target(%dma_start3A_61 : memref<128x64xf32, #tpu.memory_space<vmem>>) offsets(%dma_start3A_64 : memref<128xi32, #tpu.memory_space<vmem>>) semaphore(%dma_start3A_69 : memref<!tpu.dma_semaphore, #tpu.memory_space<semaphore_mem>>)
    %dma_start3A_70 = arith.constant 0 : i32
    %dma_start3A_71 = arith.constant 4 : i32
    %dma_start3A_72 = arith.constant 0 : i32
    %dma_start3A_73 = arith.constant 0 : i32
    %dma_start3A_74 = arith.constant 512 : i32
    %dma_start3A_75 = arith.constant 0 : i32
    %dma_start3A_76 = tpu.memref_slice %arg6[%dma_start3A_72, %dma_start3A_74, %dma_start3A_75] : memref<2x640x64xf32, #tpu.memory_space<vmem>> -> memref<1x128x64xf32, #tpu.memory_space<vmem>>
    %dma_start3A_77 = tpu.memref_squeeze %dma_start3A_76 : memref<1x128x64xf32, #tpu.memory_space<vmem>> -> memref<128x64xf32, #tpu.memory_space<vmem>>
    %dma_start3A_78 = arith.constant 0 : i32
    %dma_start3A_79 = tpu.memref_slice %arg5[%dma_start3A_70, %dma_start3A_71, %dma_start3A_78] : memref<2x5x128xi32, #tpu.memory_space<vmem>> -> memref<1x1x128xi32, #tpu.memory_space<vmem>>
    %dma_start3A_80 = tpu.memref_squeeze %dma_start3A_79 : memref<1x1x128xi32, #tpu.memory_space<vmem>> -> memref<128xi32, #tpu.memory_space<vmem>>
    %dma_start3A_81 = arith.constant 0 : i32
    %dma_start3A_82 = arith.constant 0 : i32
    %dma_start3A_83 = tpu.memref_slice %arg2[%dma_start3A_81, %dma_start3A_82] : memref<100000x64xf32, #tpu.memory_space<hbm>> -> memref<100000x64xf32, #tpu.memory_space<hbm>>
    %dma_start3A_84 = tpu.memref_slice %arg7[%dma_start3A_73] : memref<2x!tpu.dma_semaphore, #tpu.memory_space<semaphore_mem>> -> memref<1x!tpu.dma_semaphore, #tpu.memory_space<semaphore_mem>>
    %dma_start3A_85 = tpu.memref_squeeze %dma_start3A_84 : memref<1x!tpu.dma_semaphore, #tpu.memory_space<semaphore_mem>> -> memref<!tpu.dma_semaphore, #tpu.memory_space<semaphore_mem>>
    tpu.enqueue_indirect_dma source(%dma_start3A_83 : memref<100000x64xf32, #tpu.memory_space<hbm>>) target(%dma_start3A_77 : memref<128x64xf32, #tpu.memory_space<vmem>>) offsets(%dma_start3A_80 : memref<128xi32, #tpu.memory_space<vmem>>) semaphore(%dma_start3A_85 : memref<!tpu.dma_semaphore, #tpu.memory_space<semaphore_mem>>)
    %scan3A = arith.constant 0 : i32
    %scan3A_86 = arith.constant 0 : i32
    %scan3A_87 = arith.constant 39 : i32
    %scan3A_88 = arith.addi %scan3A_86, %scan3A_87 : i32
    %scan3A_89 = arith.constant 1 : i32
    scf.for %scan3A_111 = %scan3A_86 to %scan3A_88 step %scan3A_89  : i32 {
      %rem3A = arith.constant 2 : i32
      %rem3A_112 = arith.remsi %scan3A_111, %rem3A : i32
      %add3A_113 = arith.constant 1 : i32
      %add3A_114 = arith.addi %scan3A_111, %add3A_113 : i32
      %sub3A = arith.constant 1 : i32
      %sub3A_115 = arith.subi %sub3A, %rem3A_112 : i32
      %mul3A_116 = arith.constant 5 : i32
      %mul3A_117 = arith.muli %add3A_114, %mul3A_116 : i32
      %add3A_118 = arith.addi %mul3A_4, %mul3A_117 : i32
      "tpu.region"() ({
        %run_scoped3A_203 = tpu.sem_alloc : memref<!tpu.dma_semaphore, #tpu.memory_space<semaphore_mem>>
        %dma_start3A_204 = arith.constant 0 : i32
        %dma_start3A_205 = arith.constant 0 : i32
        %dma_start3A_206 = tpu.memref_slice %arg5[%sub3A_115, %dma_start3A_204, %dma_start3A_205] : memref<2x5x128xi32, #tpu.memory_space<vmem>> -> memref<1x5x128xi32, #tpu.memory_space<vmem>>
        %dma_start3A_207 = tpu.memref_squeeze %dma_start3A_206 : memref<1x5x128xi32, #tpu.memory_space<vmem>> -> memref<5x128xi32, #tpu.memory_space<vmem>>
        %dma_start3A_208 = arith.constant 0 : i32
        %dma_start3A_209 = tpu.memref_slice %arg3[%add3A_118, %dma_start3A_208] : memref<6400x128xi32, #tpu.memory_space<hbm>> -> memref<5x128xi32, #tpu.memory_space<hbm>>
        %dma_start3A_210 = arith.constant 0 : i32
        %dma_start3A_211 = arith.constant 0 : i32
        %dma_start3A_212 = tpu.memref_slice %arg5[%sub3A_115, %dma_start3A_210, %dma_start3A_211] : memref<2x5x128xi32, #tpu.memory_space<vmem>> -> memref<1x5x128xi32, #tpu.memory_space<vmem>>
        %dma_start3A_213 = tpu.memref_squeeze %dma_start3A_212 : memref<1x5x128xi32, #tpu.memory_space<vmem>> -> memref<5x128xi32, #tpu.memory_space<vmem>>
        %dma_start3A_214 = arith.constant 0 : i32
        %dma_start3A_215 = tpu.memref_slice %arg3[%add3A_118, %dma_start3A_214] : memref<6400x128xi32, #tpu.memory_space<hbm>> -> memref<5x128xi32, #tpu.memory_space<hbm>>
        tpu.enqueue_dma source(%dma_start3A_215 : memref<5x128xi32, #tpu.memory_space<hbm>>) target(%dma_start3A_213 : memref<5x128xi32, #tpu.memory_space<vmem>>) target_semaphore(%run_scoped3A_203 : memref<!tpu.dma_semaphore, #tpu.memory_space<semaphore_mem>>)
        %dma_wait3A_216 = arith.constant 0 : i32
        %dma_wait3A_217 = arith.constant 0 : i32
        %dma_wait3A_218 = tpu.memref_slice %arg5[%sub3A_115, %dma_wait3A_216, %dma_wait3A_217] : memref<2x5x128xi32, #tpu.memory_space<vmem>> -> memref<1x5x128xi32, #tpu.memory_space<vmem>>
        %dma_wait3A_219 = tpu.memref_squeeze %dma_wait3A_218 : memref<1x5x128xi32, #tpu.memory_space<vmem>> -> memref<5x128xi32, #tpu.memory_space<vmem>>
        %dma_wait3A_220 = arith.constant 0 : i32
        %dma_wait3A_221 = tpu.memref_slice %arg3[%add3A_118, %dma_wait3A_220] : memref<6400x128xi32, #tpu.memory_space<hbm>> -> memref<5x128xi32, #tpu.memory_space<hbm>>
        %dma_wait3A_222 = arith.constant 0 : i32
        %dma_wait3A_223 = arith.constant 0 : i32
        %dma_wait3A_224 = tpu.memref_slice %arg5[%sub3A_115, %dma_wait3A_222, %dma_wait3A_223] : memref<2x5x128xi32, #tpu.memory_space<vmem>> -> memref<1x5x128xi32, #tpu.memory_space<vmem>>
        %dma_wait3A_225 = tpu.memref_squeeze %dma_wait3A_224 : memref<1x5x128xi32, #tpu.memory_space<vmem>> -> memref<5x128xi32, #tpu.memory_space<vmem>>
        %dma_wait3A_226 = arith.constant 0 : i32
        %dma_wait3A_227 = tpu.memref_slice %arg3[%add3A_118, %dma_wait3A_226] : memref<6400x128xi32, #tpu.memory_space<hbm>> -> memref<5x128xi32, #tpu.memory_space<hbm>>
        tpu.wait_dma2 semaphore(%run_scoped3A_203 : memref<!tpu.dma_semaphore, #tpu.memory_space<semaphore_mem>>) src(%dma_wait3A_227 : memref<5x128xi32, #tpu.memory_space<hbm>>) dst(%dma_wait3A_225 : memref<5x128xi32, #tpu.memory_space<vmem>>)
        tpu.yield
      }) : () -> ()
      %dma_start3A_119 = arith.constant 0 : i32
      %dma_start3A_120 = arith.constant 0 : i32
      %dma_start3A_121 = arith.constant 0 : i32
      %dma_start3A_122 = tpu.memref_slice %arg6[%sub3A_115, %dma_start3A_120, %dma_start3A_121] : memref<2x640x64xf32, #tpu.memory_space<vmem>> -> memref<1x128x64xf32, #tpu.memory_space<vmem>>
      %dma_start3A_123 = tpu.memref_squeeze %dma_start3A_122 : memref<1x128x64xf32, #tpu.memory_space<vmem>> -> memref<128x64xf32, #tpu.memory_space<vmem>>
      %dma_start3A_124 = arith.constant 0 : i32
      %dma_start3A_125 = tpu.memref_slice %arg5[%sub3A_115, %dma_start3A_119, %dma_start3A_124] : memref<2x5x128xi32, #tpu.memory_space<vmem>> -> memref<1x1x128xi32, #tpu.memory_space<vmem>>
      %dma_start3A_126 = tpu.memref_squeeze %dma_start3A_125 : memref<1x1x128xi32, #tpu.memory_space<vmem>> -> memref<128xi32, #tpu.memory_space<vmem>>
      %dma_start3A_127 = arith.constant 0 : i32
      %dma_start3A_128 = arith.constant 0 : i32
      %dma_start3A_129 = tpu.memref_slice %arg2[%dma_start3A_127, %dma_start3A_128] : memref<100000x64xf32, #tpu.memory_space<hbm>> -> memref<100000x64xf32, #tpu.memory_space<hbm>>
      %dma_start3A_130 = tpu.memref_slice %arg7[%sub3A_115] : memref<2x!tpu.dma_semaphore, #tpu.memory_space<semaphore_mem>> -> memref<1x!tpu.dma_semaphore, #tpu.memory_space<semaphore_mem>>
      %dma_start3A_131 = tpu.memref_squeeze %dma_start3A_130 : memref<1x!tpu.dma_semaphore, #tpu.memory_space<semaphore_mem>> -> memref<!tpu.dma_semaphore, #tpu.memory_space<semaphore_mem>>
      tpu.enqueue_indirect_dma source(%dma_start3A_129 : memref<100000x64xf32, #tpu.memory_space<hbm>>) target(%dma_start3A_123 : memref<128x64xf32, #tpu.memory_space<vmem>>) offsets(%dma_start3A_126 : memref<128xi32, #tpu.memory_space<vmem>>) semaphore(%dma_start3A_131 : memref<!tpu.dma_semaphore, #tpu.memory_space<semaphore_mem>>)
      %dma_start3A_132 = arith.constant 1 : i32
      %dma_start3A_133 = arith.constant 128 : i32
      %dma_start3A_134 = arith.constant 0 : i32
      %dma_start3A_135 = tpu.memref_slice %arg6[%sub3A_115, %dma_start3A_133, %dma_start3A_134] : memref<2x640x64xf32, #tpu.memory_space<vmem>> -> memref<1x128x64xf32, #tpu.memory_space<vmem>>
      %dma_start3A_136 = tpu.memref_squeeze %dma_start3A_135 : memref<1x128x64xf32, #tpu.memory_space<vmem>> -> memref<128x64xf32, #tpu.memory_space<vmem>>
      %dma_start3A_137 = arith.constant 0 : i32
      %dma_start3A_138 = tpu.memref_slice %arg5[%sub3A_115, %dma_start3A_132, %dma_start3A_137] : memref<2x5x128xi32, #tpu.memory_space<vmem>> -> memref<1x1x128xi32, #tpu.memory_space<vmem>>
      %dma_start3A_139 = tpu.memref_squeeze %dma_start3A_138 : memref<1x1x128xi32, #tpu.memory_space<vmem>> -> memref<128xi32, #tpu.memory_space<vmem>>
      %dma_start3A_140 = arith.constant 0 : i32
      %dma_start3A_141 = arith.constant 0 : i32
      %dma_start3A_142 = tpu.memref_slice %arg2[%dma_start3A_140, %dma_start3A_141] : memref<100000x64xf32, #tpu.memory_space<hbm>> -> memref<100000x64xf32, #tpu.memory_space<hbm>>
      %dma_start3A_143 = tpu.memref_slice %arg7[%sub3A_115] : memref<2x!tpu.dma_semaphore, #tpu.memory_space<semaphore_mem>> -> memref<1x!tpu.dma_semaphore, #tpu.memory_space<semaphore_mem>>
      %dma_start3A_144 = tpu.memref_squeeze %dma_start3A_143 : memref<1x!tpu.dma_semaphore, #tpu.memory_space<semaphore_mem>> -> memref<!tpu.dma_semaphore, #tpu.memory_space<semaphore_mem>>
      tpu.enqueue_indirect_dma source(%dma_start3A_142 : memref<100000x64xf32, #tpu.memory_space<hbm>>) target(%dma_start3A_136 : memref<128x64xf32, #tpu.memory_space<vmem>>) offsets(%dma_start3A_139 : memref<128xi32, #tpu.memory_space<vmem>>) semaphore(%dma_start3A_144 : memref<!tpu.dma_semaphore, #tpu.memory_space<semaphore_mem>>)
      %dma_start3A_145 = arith.constant 2 : i32
      %dma_start3A_146 = arith.constant 256 : i32
      %dma_start3A_147 = arith.constant 0 : i32
      %dma_start3A_148 = tpu.memref_slice %arg6[%sub3A_115, %dma_start3A_146, %dma_start3A_147] : memref<2x640x64xf32, #tpu.memory_space<vmem>> -> memref<1x128x64xf32, #tpu.memory_space<vmem>>
      %dma_start3A_149 = tpu.memref_squeeze %dma_start3A_148 : memref<1x128x64xf32, #tpu.memory_space<vmem>> -> memref<128x64xf32, #tpu.memory_space<vmem>>
      %dma_start3A_150 = arith.constant 0 : i32
      %dma_start3A_151 = tpu.memref_slice %arg5[%sub3A_115, %dma_start3A_145, %dma_start3A_150] : memref<2x5x128xi32, #tpu.memory_space<vmem>> -> memref<1x1x128xi32, #tpu.memory_space<vmem>>
      %dma_start3A_152 = tpu.memref_squeeze %dma_start3A_151 : memref<1x1x128xi32, #tpu.memory_space<vmem>> -> memref<128xi32, #tpu.memory_space<vmem>>
      %dma_start3A_153 = arith.constant 0 : i32
      %dma_start3A_154 = arith.constant 0 : i32
      %dma_start3A_155 = tpu.memref_slice %arg2[%dma_start3A_153, %dma_start3A_154] : memref<100000x64xf32, #tpu.memory_space<hbm>> -> memref<100000x64xf32, #tpu.memory_space<hbm>>
      %dma_start3A_156 = tpu.memref_slice %arg7[%sub3A_115] : memref<2x!tpu.dma_semaphore, #tpu.memory_space<semaphore_mem>> -> memref<1x!tpu.dma_semaphore, #tpu.memory_space<semaphore_mem>>
      %dma_start3A_157 = tpu.memref_squeeze %dma_start3A_156 : memref<1x!tpu.dma_semaphore, #tpu.memory_space<semaphore_mem>> -> memref<!tpu.dma_semaphore, #tpu.memory_space<semaphore_mem>>
      tpu.enqueue_indirect_dma source(%dma_start3A_155 : memref<100000x64xf32, #tpu.memory_space<hbm>>) target(%dma_start3A_149 : memref<128x64xf32, #tpu.memory_space<vmem>>) offsets(%dma_start3A_152 : memref<128xi32, #tpu.memory_space<vmem>>) semaphore(%dma_start3A_157 : memref<!tpu.dma_semaphore, #tpu.memory_space<semaphore_mem>>)
      %dma_start3A_158 = arith.constant 3 : i32
      %dma_start3A_159 = arith.constant 384 : i32
      %dma_start3A_160 = arith.constant 0 : i32
      %dma_start3A_161 = tpu.memref_slice %arg6[%sub3A_115, %dma_start3A_159, %dma_start3A_160] : memref<2x640x64xf32, #tpu.memory_space<vmem>> -> memref<1x128x64xf32, #tpu.memory_space<vmem>>
      %dma_start3A_162 = tpu.memref_squeeze %dma_start3A_161 : memref<1x128x64xf32, #tpu.memory_space<vmem>> -> memref<128x64xf32, #tpu.memory_space<vmem>>
      %dma_start3A_163 = arith.constant 0 : i32
      %dma_start3A_164 = tpu.memref_slice %arg5[%sub3A_115, %dma_start3A_158, %dma_start3A_163] : memref<2x5x128xi32, #tpu.memory_space<vmem>> -> memref<1x1x128xi32, #tpu.memory_space<vmem>>
      %dma_start3A_165 = tpu.memref_squeeze %dma_start3A_164 : memref<1x1x128xi32, #tpu.memory_space<vmem>> -> memref<128xi32, #tpu.memory_space<vmem>>
      %dma_start3A_166 = arith.constant 0 : i32
      %dma_start3A_167 = arith.constant 0 : i32
      %dma_start3A_168 = tpu.memref_slice %arg2[%dma_start3A_166, %dma_start3A_167] : memref<100000x64xf32, #tpu.memory_space<hbm>> -> memref<100000x64xf32, #tpu.memory_space<hbm>>
      %dma_start3A_169 = tpu.memref_slice %arg7[%sub3A_115] : memref<2x!tpu.dma_semaphore, #tpu.memory_space<semaphore_mem>> -> memref<1x!tpu.dma_semaphore, #tpu.memory_space<semaphore_mem>>
      %dma_start3A_170 = tpu.memref_squeeze %dma_start3A_169 : memref<1x!tpu.dma_semaphore, #tpu.memory_space<semaphore_mem>> -> memref<!tpu.dma_semaphore, #tpu.memory_space<semaphore_mem>>
      tpu.enqueue_indirect_dma source(%dma_start3A_168 : memref<100000x64xf32, #tpu.memory_space<hbm>>) target(%dma_start3A_162 : memref<128x64xf32, #tpu.memory_space<vmem>>) offsets(%dma_start3A_165 : memref<128xi32, #tpu.memory_space<vmem>>) semaphore(%dma_start3A_170 : memref<!tpu.dma_semaphore, #tpu.memory_space<semaphore_mem>>)
      %dma_start3A_171 = arith.constant 4 : i32
      %dma_start3A_172 = arith.constant 512 : i32
      %dma_start3A_173 = arith.constant 0 : i32
      %dma_start3A_174 = tpu.memref_slice %arg6[%sub3A_115, %dma_start3A_172, %dma_start3A_173] : memref<2x640x64xf32, #tpu.memory_space<vmem>> -> memref<1x128x64xf32, #tpu.memory_space<vmem>>
      %dma_start3A_175 = tpu.memref_squeeze %dma_start3A_174 : memref<1x128x64xf32, #tpu.memory_space<vmem>> -> memref<128x64xf32, #tpu.memory_space<vmem>>
      %dma_start3A_176 = arith.constant 0 : i32
      %dma_start3A_177 = tpu.memref_slice %arg5[%sub3A_115, %dma_start3A_171, %dma_start3A_176] : memref<2x5x128xi32, #tpu.memory_space<vmem>> -> memref<1x1x128xi32, #tpu.memory_space<vmem>>
      %dma_start3A_178 = tpu.memref_squeeze %dma_start3A_177 : memref<1x1x128xi32, #tpu.memory_space<vmem>> -> memref<128xi32, #tpu.memory_space<vmem>>
      %dma_start3A_179 = arith.constant 0 : i32
      %dma_start3A_180 = arith.constant 0 : i32
      %dma_start3A_181 = tpu.memref_slice %arg2[%dma_start3A_179, %dma_start3A_180] : memref<100000x64xf32, #tpu.memory_space<hbm>> -> memref<100000x64xf32, #tpu.memory_space<hbm>>
      %dma_start3A_182 = tpu.memref_slice %arg7[%sub3A_115] : memref<2x!tpu.dma_semaphore, #tpu.memory_space<semaphore_mem>> -> memref<1x!tpu.dma_semaphore, #tpu.memory_space<semaphore_mem>>
      %dma_start3A_183 = tpu.memref_squeeze %dma_start3A_182 : memref<1x!tpu.dma_semaphore, #tpu.memory_space<semaphore_mem>> -> memref<!tpu.dma_semaphore, #tpu.memory_space<semaphore_mem>>
      tpu.enqueue_indirect_dma source(%dma_start3A_181 : memref<100000x64xf32, #tpu.memory_space<hbm>>) target(%dma_start3A_175 : memref<128x64xf32, #tpu.memory_space<vmem>>) offsets(%dma_start3A_178 : memref<128xi32, #tpu.memory_space<vmem>>) semaphore(%dma_start3A_183 : memref<!tpu.dma_semaphore, #tpu.memory_space<semaphore_mem>>)
      %dma_wait3A_184 = arith.constant 0 : i32
      %dma_wait3A_185 = arith.constant 0 : i32
      %dma_wait3A_186 = tpu.memref_slice %arg6[%rem3A_112, %dma_wait3A_184, %dma_wait3A_185] : memref<2x640x64xf32, #tpu.memory_space<vmem>> -> memref<1x640x64xf32, #tpu.memory_space<vmem>>
      %dma_wait3A_187 = tpu.memref_squeeze %dma_wait3A_186 : memref<1x640x64xf32, #tpu.memory_space<vmem>> -> memref<640x64xf32, #tpu.memory_space<vmem>>
      %dma_wait3A_188 = arith.constant 0 : i32
      %dma_wait3A_189 = arith.constant 0 : i32
      %dma_wait3A_190 = tpu.memref_slice %arg2[%dma_wait3A_188, %dma_wait3A_189] : memref<100000x64xf32, #tpu.memory_space<hbm>> -> memref<640x64xf32, #tpu.memory_space<hbm>>
      %dma_wait3A_191 = tpu.memref_slice %arg7[%rem3A_112] : memref<2x!tpu.dma_semaphore, #tpu.memory_space<semaphore_mem>> -> memref<1x!tpu.dma_semaphore, #tpu.memory_space<semaphore_mem>>
      %dma_wait3A_192 = tpu.memref_squeeze %dma_wait3A_191 : memref<1x!tpu.dma_semaphore, #tpu.memory_space<semaphore_mem>> -> memref<!tpu.dma_semaphore, #tpu.memory_space<semaphore_mem>>
      %dma_wait3A_193 = arith.constant 0 : i32
      %dma_wait3A_194 = arith.constant 0 : i32
      %dma_wait3A_195 = tpu.memref_slice %arg6[%rem3A_112, %dma_wait3A_193, %dma_wait3A_194] : memref<2x640x64xf32, #tpu.memory_space<vmem>> -> memref<1x640x64xf32, #tpu.memory_space<vmem>>
      %dma_wait3A_196 = tpu.memref_squeeze %dma_wait3A_195 : memref<1x640x64xf32, #tpu.memory_space<vmem>> -> memref<640x64xf32, #tpu.memory_space<vmem>>
      %dma_wait3A_197 = arith.constant 0 : i32
      %dma_wait3A_198 = arith.constant 0 : i32
      %dma_wait3A_199 = tpu.memref_slice %arg2[%dma_wait3A_197, %dma_wait3A_198] : memref<100000x64xf32, #tpu.memory_space<hbm>> -> memref<640x64xf32, #tpu.memory_space<hbm>>
      tpu.wait_dma2 semaphore(%dma_wait3A_192 : memref<!tpu.dma_semaphore, #tpu.memory_space<semaphore_mem>>) src(%dma_wait3A_199 : memref<640x64xf32, #tpu.memory_space<hbm>>) dst(%dma_wait3A_196 : memref<640x64xf32, #tpu.memory_space<vmem>>)
      %mul3A_200 = arith.constant 640 : i32
      %mul3A_201 = arith.muli %scan3A_111, %mul3A_200 : i32
      %add3A_202 = arith.addi %mul3A_2, %mul3A_201 : i32
      "tpu.region"() ({
        %run_scoped3A_203 = tpu.sem_alloc : memref<!tpu.dma_semaphore, #tpu.memory_space<semaphore_mem>>
        %dma_start3A_204 = arith.constant 0 : i32
        %dma_start3A_205 = arith.constant 0 : i32
        %dma_start3A_206 = tpu.memref_slice %arg6[%rem3A_112, %dma_start3A_204, %dma_start3A_205] : memref<2x640x64xf32, #tpu.memory_space<vmem>> -> memref<1x640x64xf32, #tpu.memory_space<vmem>>
        %dma_start3A_207 = tpu.memref_squeeze %dma_start3A_206 : memref<1x640x64xf32, #tpu.memory_space<vmem>> -> memref<640x64xf32, #tpu.memory_space<vmem>>
        %dma_start3A_208 = arith.constant 0 : i32
        %dma_start3A_209 = tpu.memref_slice %arg4[%add3A_202, %dma_start3A_208] : memref<819200x64xf32, #tpu.memory_space<hbm>> -> memref<640x64xf32, #tpu.memory_space<hbm>>
        %dma_start3A_210 = arith.constant 0 : i32
        %dma_start3A_211 = tpu.memref_slice %arg4[%add3A_202, %dma_start3A_210] : memref<819200x64xf32, #tpu.memory_space<hbm>> -> memref<640x64xf32, #tpu.memory_space<hbm>>
        %dma_start3A_212 = arith.constant 0 : i32
        %dma_start3A_213 = arith.constant 0 : i32
        %dma_start3A_214 = tpu.memref_slice %arg6[%rem3A_112, %dma_start3A_212, %dma_start3A_213] : memref<2x640x64xf32, #tpu.memory_space<vmem>> -> memref<1x640x64xf32, #tpu.memory_space<vmem>>
        %dma_start3A_215 = tpu.memref_squeeze %dma_start3A_214 : memref<1x640x64xf32, #tpu.memory_space<vmem>> -> memref<640x64xf32, #tpu.memory_space<vmem>>
        tpu.enqueue_dma source(%dma_start3A_215 : memref<640x64xf32, #tpu.memory_space<vmem>>) target(%dma_start3A_211 : memref<640x64xf32, #tpu.memory_space<hbm>>) target_semaphore(%run_scoped3A_203 : memref<!tpu.dma_semaphore, #tpu.memory_space<semaphore_mem>>)
        %dma_wait3A_216 = arith.constant 0 : i32
        %dma_wait3A_217 = arith.constant 0 : i32
        %dma_wait3A_218 = tpu.memref_slice %arg6[%rem3A_112, %dma_wait3A_216, %dma_wait3A_217] : memref<2x640x64xf32, #tpu.memory_space<vmem>> -> memref<1x640x64xf32, #tpu.memory_space<vmem>>
        %dma_wait3A_219 = tpu.memref_squeeze %dma_wait3A_218 : memref<1x640x64xf32, #tpu.memory_space<vmem>> -> memref<640x64xf32, #tpu.memory_space<vmem>>
        %dma_wait3A_220 = arith.constant 0 : i32
        %dma_wait3A_221 = tpu.memref_slice %arg4[%add3A_202, %dma_wait3A_220] : memref<819200x64xf32, #tpu.memory_space<hbm>> -> memref<640x64xf32, #tpu.memory_space<hbm>>
        %dma_wait3A_222 = arith.constant 0 : i32
        %dma_wait3A_223 = tpu.memref_slice %arg4[%add3A_202, %dma_wait3A_222] : memref<819200x64xf32, #tpu.memory_space<hbm>> -> memref<640x64xf32, #tpu.memory_space<hbm>>
        %dma_wait3A_224 = arith.constant 0 : i32
        %dma_wait3A_225 = arith.constant 0 : i32
        %dma_wait3A_226 = tpu.memref_slice %arg6[%rem3A_112, %dma_wait3A_224, %dma_wait3A_225] : memref<2x640x64xf32, #tpu.memory_space<vmem>> -> memref<1x640x64xf32, #tpu.memory_space<vmem>>
        %dma_wait3A_227 = tpu.memref_squeeze %dma_wait3A_226 : memref<1x640x64xf32, #tpu.memory_space<vmem>> -> memref<640x64xf32, #tpu.memory_space<vmem>>
        tpu.wait_dma2 semaphore(%run_scoped3A_203 : memref<!tpu.dma_semaphore, #tpu.memory_space<semaphore_mem>>) src(%dma_wait3A_227 : memref<640x64xf32, #tpu.memory_space<vmem>>) dst(%dma_wait3A_223 : memref<640x64xf32, #tpu.memory_space<hbm>>)
        tpu.yield
      }) : () -> ()
    }
    %scan3A_90 = arith.constant 39 : i32
    %dma_wait3A = arith.constant 1 : i32
    %dma_wait3A_91 = arith.constant 1 : i32
    %dma_wait3A_92 = arith.constant 0 : i32
    %dma_wait3A_93 = arith.constant 0 : i32
    %dma_wait3A_94 = tpu.memref_slice %arg6[%dma_wait3A, %dma_wait3A_92, %dma_wait3A_93] : memref<2x640x64xf32, #tpu.memory_space<vmem>> -> memref<1x640x64xf32, #tpu.memory_space<vmem>>
    %dma_wait3A_95 = tpu.memref_squeeze %dma_wait3A_94 : memref<1x640x64xf32, #tpu.memory_space<vmem>> -> memref<640x64xf32, #tpu.memory_space<vmem>>
    %dma_wait3A_96 = arith.constant 0 : i32
    %dma_wait3A_97 = arith.constant 0 : i32
    %dma_wait3A_98 = tpu.memref_slice %arg2[%dma_wait3A_96, %dma_wait3A_97] : memref<100000x64xf32, #tpu.memory_space<hbm>> -> memref<640x64xf32, #tpu.memory_space<hbm>>
    %dma_wait3A_99 = tpu.memref_slice %arg7[%dma_wait3A_91] : memref<2x!tpu.dma_semaphore, #tpu.memory_space<semaphore_mem>> -> memref<1x!tpu.dma_semaphore, #tpu.memory_space<semaphore_mem>>
    %dma_wait3A_100 = tpu.memref_squeeze %dma_wait3A_99 : memref<1x!tpu.dma_semaphore, #tpu.memory_space<semaphore_mem>> -> memref<!tpu.dma_semaphore, #tpu.memory_space<semaphore_mem>>
    %dma_wait3A_101 = arith.constant 0 : i32
    %dma_wait3A_102 = arith.constant 0 : i32
    %dma_wait3A_103 = tpu.memref_slice %arg6[%dma_wait3A, %dma_wait3A_101, %dma_wait3A_102] : memref<2x640x64xf32, #tpu.memory_space<vmem>> -> memref<1x640x64xf32, #tpu.memory_space<vmem>>
    %dma_wait3A_104 = tpu.memref_squeeze %dma_wait3A_103 : memref<1x640x64xf32, #tpu.memory_space<vmem>> -> memref<640x64xf32, #tpu.memory_space<vmem>>
    %dma_wait3A_105 = arith.constant 0 : i32
    %dma_wait3A_106 = arith.constant 0 : i32
    %dma_wait3A_107 = tpu.memref_slice %arg2[%dma_wait3A_105, %dma_wait3A_106] : memref<100000x64xf32, #tpu.memory_space<hbm>> -> memref<640x64xf32, #tpu.memory_space<hbm>>
    tpu.wait_dma2 semaphore(%dma_wait3A_100 : memref<!tpu.dma_semaphore, #tpu.memory_space<semaphore_mem>>) src(%dma_wait3A_107 : memref<640x64xf32, #tpu.memory_space<hbm>>) dst(%dma_wait3A_104 : memref<640x64xf32, #tpu.memory_space<vmem>>)
    %add3A_108 = arith.constant 24960 : i32
    %add3A_109 = arith.addi %mul3A_2, %add3A_108 : i32
    %run_scoped3A_110 = arith.constant 1 : i32
    "tpu.region"() ({
      %run_scoped3A_111 = tpu.sem_alloc : memref<!tpu.dma_semaphore, #tpu.memory_space<semaphore_mem>>
      %dma_start3A_112 = arith.constant 0 : i32
      %dma_start3A_113 = arith.constant 0 : i32
      %dma_start3A_114 = tpu.memref_slice %arg6[%run_scoped3A_110, %dma_start3A_112, %dma_start3A_113] : memref<2x640x64xf32, #tpu.memory_space<vmem>> -> memref<1x640x64xf32, #tpu.memory_space<vmem>>
      %dma_start3A_115 = tpu.memref_squeeze %dma_start3A_114 : memref<1x640x64xf32, #tpu.memory_space<vmem>> -> memref<640x64xf32, #tpu.memory_space<vmem>>
      %dma_start3A_116 = arith.constant 0 : i32
      %dma_start3A_117 = tpu.memref_slice %arg4[%add3A_109, %dma_start3A_116] : memref<819200x64xf32, #tpu.memory_space<hbm>> -> memref<640x64xf32, #tpu.memory_space<hbm>>
      %dma_start3A_118 = arith.constant 0 : i32
      %dma_start3A_119 = tpu.memref_slice %arg4[%add3A_109, %dma_start3A_118] : memref<819200x64xf32, #tpu.memory_space<hbm>> -> memref<640x64xf32, #tpu.memory_space<hbm>>
      %dma_start3A_120 = arith.constant 0 : i32
      %dma_start3A_121 = arith.constant 0 : i32
      %dma_start3A_122 = tpu.memref_slice %arg6[%run_scoped3A_110, %dma_start3A_120, %dma_start3A_121] : memref<2x640x64xf32, #tpu.memory_space<vmem>> -> memref<1x640x64xf32, #tpu.memory_space<vmem>>
      %dma_start3A_123 = tpu.memref_squeeze %dma_start3A_122 : memref<1x640x64xf32, #tpu.memory_space<vmem>> -> memref<640x64xf32, #tpu.memory_space<vmem>>
      tpu.enqueue_dma source(%dma_start3A_123 : memref<640x64xf32, #tpu.memory_space<vmem>>) target(%dma_start3A_119 : memref<640x64xf32, #tpu.memory_space<hbm>>) target_semaphore(%run_scoped3A_111 : memref<!tpu.dma_semaphore, #tpu.memory_space<semaphore_mem>>)
      %dma_wait3A_124 = arith.constant 0 : i32
      %dma_wait3A_125 = arith.constant 0 : i32
      %dma_wait3A_126 = tpu.memref_slice %arg6[%run_scoped3A_110, %dma_wait3A_124, %dma_wait3A_125] : memref<2x640x64xf32, #tpu.memory_space<vmem>> -> memref<1x640x64xf32, #tpu.memory_space<vmem>>
      %dma_wait3A_127 = tpu.memref_squeeze %dma_wait3A_126 : memref<1x640x64xf32, #tpu.memory_space<vmem>> -> memref<640x64xf32, #tpu.memory_space<vmem>>
      %dma_wait3A_128 = arith.constant 0 : i32
      %dma_wait3A_129 = tpu.memref_slice %arg4[%add3A_109, %dma_wait3A_128] : memref<819200x64xf32, #tpu.memory_space<hbm>> -> memref<640x64xf32, #tpu.memory_space<hbm>>
      %dma_wait3A_130 = arith.constant 0 : i32
      %dma_wait3A_131 = tpu.memref_slice %arg4[%add3A_109, %dma_wait3A_130] : memref<819200x64xf32, #tpu.memory_space<hbm>> -> memref<640x64xf32, #tpu.memory_space<hbm>>
      %dma_wait3A_132 = arith.constant 0 : i32
      %dma_wait3A_133 = arith.constant 0 : i32
      %dma_wait3A_134 = tpu.memref_slice %arg6[%run_scoped3A_110, %dma_wait3A_132, %dma_wait3A_133] : memref<2x640x64xf32, #tpu.memory_space<vmem>> -> memref<1x640x64xf32, #tpu.memory_space<vmem>>
      %dma_wait3A_135 = tpu.memref_squeeze %dma_wait3A_134 : memref<1x640x64xf32, #tpu.memory_space<vmem>> -> memref<640x64xf32, #tpu.memory_space<vmem>>
      tpu.wait_dma2 semaphore(%run_scoped3A_111 : memref<!tpu.dma_semaphore, #tpu.memory_space<semaphore_mem>>) src(%dma_wait3A_135 : memref<640x64xf32, #tpu.memory_space<vmem>>) dst(%dma_wait3A_131 : memref<640x64xf32, #tpu.memory_space<hbm>>)
      tpu.yield
    }) : () -> ()
    return
  }
}

</mosaic_0001>

<sc_bundles>
// kernel: kernel.3.cloned.1.call-start
scs
__scs_entry_jumppad:
0x0: {  	(pc) =	sbr.rel $0x88, $3  }
0x1: {  	(tag) =	ssettag $0x0;
	lr =	simm.s32 $0x1  }
0x2: {  	[smem:$0x3F9F] =	sst lr;
	_ =	strace $0xD0000000  }
0x3: {  	_ = 	snop  }
0x4: {  	_ = 	snop  }
0x5: {  	_ = 	snop  }
0x6: {  	_ = 	snop  }
0x7: {  	_ = 	snop  }
__scs_overlays_trampoline_lowered:
0x8: {  	[smem:$0x3FAE] =	sst s0  }
0x9: {  	[smem:$0x3FAF] =	sst s1  }
0xa: {  	[smem:$0x3FB0] =	sst s2  }
0xb: {  	[smem:$0x3FB1] =	sst s3  }
0xc: {  	[smem:$0x3FB2] =	sst s4  }
0xd: {  	[smem:$0x3FB3] =	sst s5  }
0xe: {  	[smem:$0x3FB4] =	sst s6  }
0xf: {  	[smem:$0x3FB5] =	sst s7  }
0x10: {  	[smem:$0x3FB6] =	sst s8  }
0x11: {  	[smem:$0x3FB7] =	sst s9;
	s0 =	simm.s32 @!p0 $0x0  }
0x12: {  	s1 =	sld [smem:$0x3F9D];
	s0 =	simm.s32 @p0 $0x1  }
0x13: {  	[smem:$0x3FB8] =	sst s0;
	s0 =	simm.s32 @!p1 $0x0  }
0x14: {  	s2 =	sld [smem:$0x3F9C];
	s0 =	simm.s32 @p1 $0x1  }
0x15: {  	[smem:$0x3FB9] =	sst s0;
	s0 =	simm.s32 @!p2 $0x0  }
0x16: {  	s3 =	sld [smem:$0x3FDB];
	s0 =	simm.s32 @p2 $0x1  }
0x17: {  	s4 =	simm.s32 $0x1BF5;
	[smem:$0x3FBB] =	sst s0  }
0x18: {  	s0 =	sld [smem:$0x3F9E];
	_ =	swait.ge [sflag:s4], $0x0  }
0x19: {  	s7 =	sld [smem:$0x3F9F]  }
0x1a: {  	s8 =	sadd.s32 $0xFFFFE003, lr  }
0x1b: {  	s9 =	sadd.s32 $0xFFFFFEF7, lr;
	s5 =	simm.s32 $0xFFFFFFFF;
	p2 =	slt.u32 s8, $0xFFFFF086  }
0x1c: {  	p1 =	slt.u32 s9, $0xF7A;
	s5 =	simm.s32 @!p2 $0x0  }
0x1d: {  	s5 =	simm.s32 @p1 $0x1;
	p0 =	seq.s32 s7, s2  }
0x1e: {  	s7 =	smul.u32 @!p0 $0xF7A, s2;
	p2 =	seq.s32 @!p0 s5, $0x0  }
0x1f: {  	s9 =	smul.u32 $0xF7A, s1;
	s8 =	simm.s32 @!p0 $0x1BF5;
	p2 =	por !p2, p0  }
0x20: {  	[sflag:s8] =	ssyncset.s32 @!p0 $0xFFFFF086;
	s6 =	sadd.s32 @!p0 s3, s7;
	s7 =	simm.s32 @!p0 $0x108  }
0x21: {  	s3 =	sadd.s32 s3, s9;
	s6 =	sadd.s32 @!p0 $0x88, s6;
	s7 =	simm.s32 @p2 $0x1082  }
0x22: {  	[simem:s7], [sflag:s8] =	dma.local @!p0 [hbm:s6], $0xF7A  }
0x23: {  	s9 =	sor.u32 $0xD0000000, s2;
	s6 =	simm.s32 $0x108;
	_ =	swait.ge @!p0 [sflag:s8], $0x0  }
0x24: {  	s3 =	sadd.s32 $0x88, s3;
	s6 =	simm.s32 @!p1 $0x1082;
	[sflag:s4] =	ssyncset.s32 $0xFFFFF086  }
0x25: {  	[simem:s6], [sflag:s4] =	dma.local [hbm:s3], $0xF7A  }
0x26: {  	[smem:$0x3F9F] =	sst s1;
	(tag) =	ssettag s2;
	_ =	strace s9  }
0x27: {  	s1 =	sld [smem:$0x3FAF]  }
0x28: {  	s2 =	sld [smem:$0x3FB0]  }
0x29: {  	s4 =	sld [smem:$0x3FB2]  }
0x2a: {  	p0 =	seq.s32 s5, $0x0;
	s5 =	sld [smem:$0x3FB3]  }
0x2b: {  	s6 =	sld [smem:$0x3FB4]  }
0x2c: {  	s7 =	sld [smem:$0x3FB5]  }
0x2d: {  	s3 =	simm.s32 $0x108;
	s8 =	sld [smem:$0x3FB6]  }
0x2e: {  	s3 =	simm.s32 @!p0 $0x1082;
	s9 =	sld [smem:$0x3FB7]  }
0x2f: {  	lr =	sadd.s32 s0, s3;
	s0 =	sld [smem:$0x3FAE]  }
0x30: {  	s3 =	sld [smem:$0x3FB1]  }
0x31: {  	[smem:$0x3FBA] =	sst s10  }
0x32: {  	s10 =	sld [smem:$0x3FB8];
	_ =	sdelay $0x3  }
0x33: {  	p0 =	seq.s32 s10, $0x1;
	s10 =	sld [smem:$0x3FBA];
	_ =	sdelay $0x3  }
0x34: {  	[smem:$0x3FBA] =	sst s10  }
0x35: {  	s10 =	sld [smem:$0x3FB9];
	_ =	sdelay $0x3  }
0x36: {  	p1 =	seq.s32 s10, $0x1;
	s10 =	sld [smem:$0x3FBA];
	_ =	sdelay $0x3  }
0x37: {  	[smem:$0x3FBA] =	sst s10  }
0x38: {  	s10 =	sld [smem:$0x3FBB]  }
0x39: {  	_ = 	snop;
	(pc) =	sbr.ind lr, $3  }
0x3a: {  	_ = 	snop  }
0x3b: {  	_ = 	snop  }
0x3c: {  	p2 =	seq.s32 s10, $0x1;
	s10 =	sld [smem:$0x3FBA]  }
0x3d: {  	_ =	shalt  }
0x3e: {  	_ =	shalt  }
0x3f: {  	_ =	shalt  }
0x40: {  	_ =	shalt  }
0x41: {  	_ =	shalt  }
0x42: {  	_ =	shalt  }
0x43: {  	_ =	shalt  }
0x44: {  	_ =	shalt  }
0x45: {  	_ =	shalt  }
0x46: {  	_ =	shalt  }
0x47: {  	_ =	shalt  }
0x48: {  	_ =	shalt  }
0x49: {  	_ =	shalt  }
0x4a: {  	_ =	shalt  }
0x4b: {  	_ =	shalt  }
0x4c: {  	_ =	shalt  }
0x4d: {  	_ =	shalt  }
0x4e: {  	_ =	shalt  }
0x4f: {  	_ =	shalt  }
0x50: {  	_ =	shalt  }
0x51: {  	_ =	shalt  }
0x52: {  	_ =	shalt  }
0x53: {  	_ =	shalt  }
0x54: {  	_ =	shalt  }
0x55: {  	_ =	shalt  }
0x56: {  	_ =	shalt  }
0x57: {  	_ =	shalt  }
0x58: {  	_ =	shalt  }
0x59: {  	_ =	shalt  }
0x5a: {  	_ =	shalt  }
0x5b: {  	_ =	shalt  }
0x5c: {  	_ =	shalt  }
0x5d: {  	_ =	shalt  }
0x5e: {  	_ =	shalt  }
0x5f: {  	_ =	shalt  }
0x60: {  	_ =	shalt  }
0x61: {  	_ =	shalt  }
0x62: {  	_ =	shalt  }
0x63: {  	_ =	shalt  }
0x64: {  	_ =	shalt  }
0x65: {  	_ =	shalt  }
0x66: {  	_ =	shalt  }
0x67: {  	_ =	shalt  }
0x68: {  	_ =	shalt  }
0x69: {  	_ =	shalt  }
0x6a: {  	_ =	shalt  }
0x6b: {  	_ =	shalt  }
0x6c: {  	_ =	shalt  }
0x6d: {  	_ =	shalt  }
0x6e: {  	_ =	shalt  }
0x6f: {  	_ =	shalt  }
0x70: {  	_ =	shalt  }
0x71: {  	_ =	shalt  }
0x72: {  	_ =	shalt  }
0x73: {  	_ =	shalt  }
0x74: {  	_ =	shalt  }
0x75: {  	_ =	shalt  }
0x76: {  	_ =	shalt  }
0x77: {  	_ =	shalt  }
0x78: {  	_ =	shalt  }
0x79: {  	_ =	shalt  }
0x7a: {  	_ =	shalt  }
0x7b: {  	_ =	shalt  }
0x7c: {  	_ =	shalt  }
0x7d: {  	_ =	shalt  }
0x7e: {  	_ =	shalt  }
0x7f: {  	_ =	shalt  }
0x80: {  	_ =	shalt  }
0x81: {  	_ =	shalt  }
0x82: {  	_ =	shalt  }
0x83: {  	_ =	shalt  }
0x84: {  	_ =	shalt  }
0x85: {  	_ =	shalt  }
0x86: {  	_ =	shalt  }
0x87: {  	_ =	shalt  }
.Lfunc_end0:
.L_simem_size_0:
called_computation.1_lowered:
.L_overlay_start_0:
0x88: {  	s2 =	sld [smem:$0x3FD9]  }
0x89: {  	s3 =	sld [smem:$0x3FFE];
	_ =	sdelay $0x1  }
0x8a: {  	s1 =	srdreg.scid  }
0x8b: {  	s0 =	sand.u32 $0x1, s1  }
0x8c: {  	s17 =	sshll.u32 s0, $0xA;
	s2 =	sadd.s32 s3, s2  }
0x8d: {  	s2 =	sadd.s32 s2, s17  }
0x8e: {  	[smem:$0x3FC6] =	sst s2  }
0x8f: {  	_ = 	snop  }
0x90: {  	s2 =	sld [smem:$0x3FD0];
	(tm) =	ssettm $0x1  }
0x91: {  	s18 =	sld [smem:$0x3FFB];
	_ =	sdelay $0x3  }
0x92: {  	_ =	strace s18  }
0x93: {  	s3 =	sld [smem:$0x3FFC];
	_ =	sdelay $0x3  }
0x94: {  	_ =	strace s3  }
0x95: {  	s3 =	sld [smem:$0x3FFD];
	_ =	sdelay $0x3  }
0x96: {  	_ =	strace s3  }
0x97: {  	_ =	strace $0x8FFFFFFF  }
0x98: {  	s19 =	sld [smem:$0x3FDB];
	_ =	sdelay $0x1  }
0x99: {  	s4 =	simm.s32 $_scs_section_size  }
0x9a: {  	s5 =	simm.s32 $_size__tile_overlayer_lowered;
	s6 =	simm.s32 $_tile_overlayer_lowered  }
0x9b: {  	s22 =	simm.s32 $0x1BFF;
	s21 =	sshll.u32 s6, $0x1;
	s3 =	sadd.s32 s4, s19  }
0x9c: {  	s7 =	simm.s32 $0x0;
	s20 =	sshll.u32 s5, $0x1;
	s5 =	sadd.s32 s21, s3  }
0x9d: {  	[timem:s7], [sflag:s22] =	dma.local [hbm:s5], s20  }
0x9e: {  	_ =	swait.ge [sflag:s22], s20  }
0x9f: {  	s4 =	ssub.s32 $0x0, s20;
	[sflag:s22] =	ssyncset.done $0x0  }
0xa0: {  	[sflag:s22] =	ssyncadd.s32 s4;
	_ =	sdelay $0x1  }
0xa1: {  	s23 =	simm.s32 $0x1B8B  }
0xa2: {  	_ =	swait.ge [sflag:s23], $0x1  }
0xa3: {  	[sflag:s23] =	ssyncset.done $0x0  }
0xa4: {  	s25 =	simm.s32 $0x1B8E;
	s24 =	sld [smem:$0x3FFE];
	[sflag:s23] =	ssyncadd.s32 $0xFFFFFFFF  }
0xa5: {  	s26 =	simm.s32 $execute0_lowered;
	[smem:$0x3FD2] =	sst s25  }
0xa6: {  	s5 =	sshll.u32 s26, $0x1;
	_ =	strace $0x80000046;
	[dreg:$0x1] =	wrdreg $0xFFFFFFFF  }
0xa7: {  	s28 =	simm.s32 $_size_execute0_lowered;
	s3 =	sadd.s32 s3, s5;
	[dreg:$0x0] =	wrdreg $0x0  }
0xa8: {  	s5 =	sshll.u32 s28, $0x1;
	[dreg:$0x2] =	wrdreg s3  }
0xa9: {  	[dreg:$0x3] =	wrdreg s5  }
0xaa: {  	[dreg:$0x4] =	wrdreg $0xC0  }
0xab: {  	_ =	task [dreg:s7], $0x5FFFF  }
0xac: {  	[dreg:$0x1] =	wrdreg $0xFFFFFFFF  }
0xad: {  	[dreg:$0x0] =	wrdreg $0x60  }
0xae: {  	[dreg:$0x2] =	wrdreg s24  }
0xaf: {  	[dreg:$0x3] =	wrdreg s2  }
0xb0: {  	[dreg:$0x4] =	wrdreg $0x9  }
0xb1: {  	_ =	task.clear_ibuf [dreg:s7], $0x5FFFF;
	_ =	strace $0x90000046  }
0xb2: {  	s29 =	simm.s32 $0x9;
	_ =	strace $0x80000048  }
0xb3: {  	_ =	swait.ge [sflag:s29], $0x1  }
0xb4: {  	[sflag:s29] =	ssyncadd.s32 $0xFFFFFFFF  }
0xb5: {  	_ =	strace $0x90000048  }
0xb6: {  	_ =	sfence  }
0xb7: {  	s30 =	sld [smem:$0x0];
	_ =	sdelay $0x2  }
0xb8: {  	s31 =	sshll.u32 s1, $0xD;
	s1 =	sshrl.u32 s1, $0x2  }
0xb9: {  	s3 =	sand.u32 $0x4000, s31;
	s1 =	sadd.s32 s1, s30  }
0xba: {  	s0 =	sor.u32 s3, s0;
	s1 =	sshll.u32 s1, $0x11  }
0xbb: {  	s0 =	sor.u32 s1, s0  }
0xbc: {  	s0 =	sadd.s32 $0x8F2B, s0  }
0xbd: {  	[sflag:s0] =	ssyncadd.remote.s32 $0x1  }
0xbe: {  	_ =	sfence.sel $0xFFFF  }
0xbf: {  	[dreg:$0x0] =	wrdreg $0xFFFFFFFF;
	(pc) =	sbr.abs _section_cstart, $3  }
0xc0: {  	[dreg:$0x1] =	wrdreg $0xFFFFFFFF  }
0xc1: {  	_ =	task.clear_ibuf [dreg:s7], $0x2FFFF;
	_ =	strace $0x9FFFFFFF  }
0xc2: {  	(tm) =	ssettm $0x7FFFFFFF  }
0xc3: {  	_ =	shalt  }
tec
execute0_lowered:
.L_overlay_start_1:
0x0: {  	(tag) =	ssettag $0x1  }
0x1: {  	s4 =	rddreg [dreg:$0x0]  }
0x2: {  	s1 =	srdreg.scid;
	s0 =	stileid.u32  }
0x3: {  	s7 =	rddreg [dreg:$0x1];
	s2 =	simm.s32 $0x0;
	s13 =	simm.s32 $0x100  }
0x4: {  	s14 =	simm.s32 $0x4500;
	s15 =	simm.s32 $0x180;
	s16 =	simm.s32 $0x6500  }
0x5: {  	s17 =	simm.s32 $0x200;
	s18 =	simm.s32 $0x8500;
	s19 =	simm.s32 $0x2  }
0x6: {  	s20 =	simm.s32 $0xA500;
	s21 =	simm.s32 $0x0;
	s10 =	smul.u32 $0x190, s0  }
0x7: {  	s6 =	sand.u32 $0x1, s1;
	s3 =	sshll.u32 s0, $0x1;
	s29 =	smul.u32 $0x64000, s0  }
0x8: {  	[smem:$0x7FF] =	sst s2;
	s11 =	sadd.s32 $0x800, s4;
	s12 =	smul.u32 $0xC8, s6  }
0x9: {  	s3 =	sor.u32 s6, s3;
	s9 =	ssub.s32 $0x2, s6;
	s30 =	smul.u32 $0x32000, s6  }
0xa: {  	_ =	strace $0x80000047;
	s5 =	smul.u32 $0xC80, s3;
	s26 =	sshrl.u32 s9, $0x1  }
0xb: {  	s8 =	smul.u32 $0x190000, s3;
	s3 =	sadd.s32 $0x19800, s4;
	s9 =	ssub.s32 s9, s26  }
0xc: {  	s10 =	sadd.s32 s12, s10;
	s12 =	simm.s32 $0x2500;
	s4 =	sadd.s32 s11, s5  }
0xd: {  	s28 =	sshrl.u32 s8, $0x3;
	s10 =	sshll.u32 s10, $0x4;
	s6 =	smax.u32 s9, $0x1  }
0xe: {  	s9 =	simm.s32 $0x3;
	s5 =	sadd.s32 s7, s28;
	s7 =	sadd.s32 s29, s7  }
0xf: {  	s31 =	sadd.s32 s10, s11;
	s10 =	simm.s32 $0x80;
	s11 =	simm.s32 $0x500  }
0x10: {  	s5 =	sadd.s32 $0x30C00, s5;
	s7 =	sadd.s32 s30, s7;
	s8 =	sadd.s32 $0x50, s31  }
.LBB2_1:
0x11: {  	[tilespmem:s2], [sflag:$0x3] =	stream.linear.gather [hbm4b:s4+s2], $0x280, $0x38;
	[tilespmem:$0x14500] =	vst v63  }
0x12: {  	_ =	swait.ge [sflag:s9], $0x280  }
0x13: {  	[sflag:s9] =	ssyncset.done $0x0  }
0x14: {  	[sflag:s9] =	ssyncadd.s32 $0xFFFFFD80  }
0x15: {  	[tilespmem:s11], [sflag:$0x1] =	stream.indirect.gather [hbm4b:s3+s10], $0x40, s2, s10, $0xb8;
	[tilespmem:$0x14500] =	vst v63  }
0x16: {  	_ = 	snop  }
0x17: {  	[tilespmem:s12], [sflag:$0x1] =	stream.indirect.gather [hbm4b:s3+s10], $0x40, s10, s10, $0xb8;
	[tilespmem:$0x14500] =	vst v63  }
0x18: {  	s22 =	sand.u32 $0x1, s2  }
0x19: {  	[tilespmem:s14], [sflag:$0x1] =	stream.indirect.gather [hbm4b:s3+s10], $0x40, s13, s10, $0xb8;
	[tilespmem:$0x14500] =	vst v63  }
0x1a: {  	s23 =	sxor.u32 $0x1, s22  }
0x1b: {  	[tilespmem:s16], [sflag:$0x1] =	stream.indirect.gather [hbm4b:s3+s10], $0x40, s15, s10, $0xb8;
	[tilespmem:$0x14500] =	vst v63  }
0x1c: {  	s24 =	smul.u32 $0xA00, s23  }
0x1d: {  	[tilespmem:s18], [sflag:$0x1] =	stream.indirect.gather [hbm4b:s3+s10], $0x40, s17, s10, $0xb8;
	[tilespmem:$0x14500] =	vst v63  }
0x1e: {  	s25 =	smul.u32 $0x28000, s23;
	s24 =	sshrl.u32 s24, $0x2  }
0x1f: {  	[tilespmem:s24], [sflag:$0x3] =	stream.linear.gather [hbm4b:s8+s2], $0x280, $0x38;
	[tilespmem:$0x14500] =	vst v63  }
0x20: {  	_ =	swait.ge [sflag:s9], $0x280  }
0x21: {  	s25 =	sshrl.u32 s25, $0x2;
	[sflag:s9] =	ssyncset.done $0x0  }
0x22: {  	s23 =	sadd.s32 $0x1, s23;
	s26 =	sor.u32 $0x500, s25;
	[sflag:s9] =	ssyncadd.s32 $0xFFFFFD80  }
0x23: {  	[tilespmem:s26], [sflag:s23] =	stream.indirect.gather [hbm4b:s3+s10], $0x40, s24, s10, $0xb8;
	[tilespmem:$0x14500] =	vst v63  }
0x24: {  	s31 =	sadd.s32 $0x2500, s25;
	s28 =	sadd.s32 $0x80, s24  }
0x25: {  	[tilespmem:s31], [sflag:s23] =	stream.indirect.gather [hbm4b:s3+s10], $0x40, s28, s10, $0xb8;
	[tilespmem:$0x14500] =	vst v63  }
0x26: {  	s1 =	smul.u32 $0x28000, s22;
	s0 =	sadd.s32 $0x4500, s25;
	s28 =	sadd.s32 $0x100, s24  }
0x27: {  	[tilespmem:s0], [sflag:s23] =	stream.indirect.gather [hbm4b:s3+s10], $0x40, s28, s10, $0xb8;
	[tilespmem:$0x14500] =	vst v63  }
0x28: {  	s22 =	sadd.s32 $0x1, s22;
	s29 =	sadd.s32 $0x180, s24;
	s28 =	sadd.s32 $0x6500, s25  }
0x29: {  	[tilespmem:s28], [sflag:s23] =	stream.indirect.gather [hbm4b:s3+s10], $0x40, s29, s10, $0xb8;
	[tilespmem:$0x14500] =	vst v63  }
0x2a: {  	s30 =	sshrl.u32 s1, $0x2;
	s24 =	sadd.s32 $0x200, s24;
	s25 =	sadd.s32 $0x8500, s25  }
0x2b: {  	[tilespmem:s25], [sflag:s23] =	stream.indirect.gather [hbm4b:s3+s10], $0x40, s24, s10, $0xb8;
	[tilespmem:$0x14500] =	vst v63  }
0x2c: {  	s31 =	sor.u32 $0x500, s30;
	_ =	swait.ge [sflag:s22], $0xA000  }
0x2d: {  	s28 =	simm.s32 $0x2;
	s24 =	simm.s32 $0x1;
	[sflag:s22] =	ssyncset.done $0x0  }
0x2e: {  	s25 =	sadd.s32 $0x50, s8;
	s23 =	sand.u32 $0x1, s24;
	[sflag:s22] =	ssyncadd.s32 $0xFFFF6000  }
0x2f: {  	[hbm4b:s7+s2] =	stream.linear.scatter [tilespmem:s31], [sflag:$0x3], $0xA000, $0x38;
	[tilespmem:$0x14500] =	vst v63  }
0x30: {  	s26 =	sxor.u32 $0x1, s23;
	s24 =	smul.u32 $0x28000, s23;
	_ =	swait.ge [sflag:s9], $0xA000  }
0x31: {  	s29 =	smul.u32 $0xA00, s26;
	s22 =	sadd.s32 $0x1400, s7;
	[sflag:s9] =	ssyncset.done $0x0  }
.LBB2_2:
0x32: {  	s30 =	smul.u32 $0x28000, s26  }
0x33: {  	[sflag:s9] =	ssyncadd.s32 $0xFFFF6000;
	s31 =	smov.u32 s28;
	s1 =	sadd.s32 $0x1, s28  }
0x34: {  	p0 =	sne.s32 s28, $0x26;
	s28 =	sshrl.u32 s29, $0x2  }
0x35: {  	[tilespmem:s28], [sflag:$0x3] =	stream.linear.gather [hbm4b:s25+s2], $0x280, $0x38;
	[tilespmem:$0x14500] =	vst v63  }
0x36: {  	s29 =	sshrl.u32 s30, $0x2;
	_ =	swait.ge [sflag:s9], $0x280  }
0x37: {  	[sflag:s9] =	ssyncset.done $0x0  }
0x38: {  	s26 =	sadd.s32 $0x1, s26;
	s30 =	sor.u32 $0x500, s29;
	[sflag:s9] =	ssyncadd.s32 $0xFFFFFD80  }
0x39: {  	[tilespmem:s30], [sflag:s26] =	stream.indirect.gather [hbm4b:s3+s10], $0x40, s28, s10, $0xb8;
	[tilespmem:$0x14500] =	vst v63  }
0x3a: {  	s0 =	sadd.s32 $0x80, s28;
	s30 =	sadd.s32 $0x2500, s29  }
0x3b: {  	[tilespmem:s30], [sflag:s26] =	stream.indirect.gather [hbm4b:s3+s10], $0x40, s0, s10, $0xb8;
	[tilespmem:$0x14500] =	vst v63  }
0x3c: {  	s0 =	sadd.s32 $0x4500, s29;
	s30 =	sadd.s32 $0x100, s28  }
0x3d: {  	[tilespmem:s0], [sflag:s26] =	stream.indirect.gather [hbm4b:s3+s10], $0x40, s30, s10, $0xb8;
	[tilespmem:$0x14500] =	vst v63  }
0x3e: {  	s0 =	sadd.s32 $0x6500, s29;
	s30 =	sadd.s32 $0x180, s28  }
0x3f: {  	[tilespmem:s0], [sflag:s26] =	stream.indirect.gather [hbm4b:s3+s10], $0x40, s30, s10, $0xb8;
	[tilespmem:$0x14500] =	vst v63  }
0x40: {  	s28 =	sadd.s32 $0x200, s28;
	s0 =	sadd.s32 $0x8500, s29;
	s29 =	sadd.s32 $0x1, s23  }
0x41: {  	[tilespmem:s0], [sflag:s26] =	stream.indirect.gather [hbm4b:s3+s10], $0x40, s28, s10, $0xb8;
	[tilespmem:$0x14500] =	vst v63  }
0x42: {  	s25 =	sadd.s32 $0x50, s25;
	s23 =	sand.u32 $0x1, s31;
	_ =	swait.ge [sflag:s29], $0xA000  }
.Ltmp0:
0x43: {  	s0 =	sshrl.u32 s24, $0x2;
	[sflag:s29] =	ssyncset.done $0x0;
	(pc) =	sbr.rel @p0 .LBB2_2-.Ltmp0, $4  }
0x44: {  	s26 =	sxor.u32 $0x1, s23;
	s0 =	sor.u32 $0x500, s0;
	[sflag:s29] =	ssyncadd.s32 $0xFFFF6000  }
0x45: {  	[hbm4b:s22+s2] =	stream.linear.scatter [tilespmem:s0], [sflag:$0x3], $0xA000, $0x38;
	[tilespmem:$0x14500] =	vst v63  }
0x46: {  	s24 =	smul.u32 $0x28000, s23;
	s28 =	smov.u32 s1;
	_ =	swait.ge [sflag:s9], $0xA000  }
0x47: {  	s29 =	smul.u32 $0xA00, s26;
	s22 =	sadd.s32 $0x1400, s22;
	[sflag:s9] =	ssyncset.done $0x0  }
0x48: {  	_ = 	snop  }
0x49: {  	s0 =	smul.u32 $0x28000, s26;
	[sflag:s9] =	ssyncadd.s32 $0xFFFF6000;
	s1 =	sshrl.u32 s29, $0x2  }
0x4a: {  	[tilespmem:s1], [sflag:$0x3] =	stream.linear.gather [hbm4b:s25+s2], $0x280, $0x38;
	[tilespmem:$0x14500] =	vst v63  }
0x4b: {  	_ =	swait.ge [sflag:s9], $0x280  }
0x4c: {  	s0 =	sshrl.u32 s0, $0x2;
	[sflag:s9] =	ssyncset.done $0x0  }
0x4d: {  	s26 =	sadd.s32 $0x1, s26;
	s28 =	sor.u32 $0x500, s0;
	[sflag:s9] =	ssyncadd.s32 $0xFFFFFD80  }
0x4e: {  	[tilespmem:s28], [sflag:s26] =	stream.indirect.gather [hbm4b:s3+s10], $0x40, s1, s10, $0xb8;
	[tilespmem:$0x14500] =	vst v63  }
0x4f: {  	s29 =	sadd.s32 $0x2500, s0;
	s28 =	sadd.s32 $0x80, s1  }
0x50: {  	[tilespmem:s29], [sflag:s26] =	stream.indirect.gather [hbm4b:s3+s10], $0x40, s28, s10, $0xb8;
	[tilespmem:$0x14500] =	vst v63  }
0x51: {  	s31 =	sadd.s32 $0x100, s1;
	s30 =	sadd.s32 $0x4500, s0  }
0x52: {  	[tilespmem:s30], [sflag:s26] =	stream.indirect.gather [hbm4b:s3+s10], $0x40, s31, s10, $0xb8;
	[tilespmem:$0x14500] =	vst v63  }
0x53: {  	s29 =	sadd.s32 $0x6500, s0;
	s30 =	sadd.s32 $0x180, s1  }
0x54: {  	[tilespmem:s29], [sflag:s26] =	stream.indirect.gather [hbm4b:s3+s10], $0x40, s30, s10, $0xb8;
	[tilespmem:$0x14500] =	vst v63  }
0x55: {  	s23 =	sadd.s32 $0x1, s23;
	s0 =	sadd.s32 $0x8500, s0;
	s1 =	sadd.s32 $0x200, s1  }
0x56: {  	[tilespmem:s0], [sflag:s26] =	stream.indirect.gather [hbm4b:s3+s10], $0x40, s1, s10, $0xb8;
	[tilespmem:$0x14500] =	vst v63  }
0x57: {  	_ =	swait.ge [sflag:s23], $0xA000  }
0x58: {  	s31 =	sshrl.u32 s24, $0x2;
	[sflag:s23] =	ssyncset.done $0x0  }
0x59: {  	s0 =	sor.u32 $0x500, s31;
	[sflag:s23] =	ssyncadd.s32 $0xFFFF6000  }
0x5a: {  	[hbm4b:s22+s2] =	stream.linear.scatter [tilespmem:s0], [sflag:$0x3], $0xA000, $0x38;
	[tilespmem:$0x14500] =	vst v63  }
0x5b: {  	_ =	swait.ge [sflag:s9], $0xA000  }
0x5c: {  	[sflag:s9] =	ssyncset.done $0x0  }
0x5d: {  	[sflag:s9] =	ssyncadd.s32 $0xFFFF6000  }
0x5e: {  	s21 =	sadd.s32 $0x1, s21;
	_ =	swait.ge [sflag:s19], $0xA000  }
0x5f: {  	p0 =	sne.s32 s21, s6;
	[sflag:s19] =	ssyncset.done $0x0  }
.Ltmp1:
0x60: {  	[sflag:s19] =	ssyncadd.s32 $0xFFFF6000;
	(pc) =	sbr.rel @p0 .LBB2_1-.Ltmp1, $4  }
0x61: {  	[hbm4b:s5+s2] =	stream.linear.scatter [tilespmem:s20], [sflag:$0x3], $0xA000, $0x38;
	[tilespmem:$0x14500] =	vst v63  }
0x62: {  	_ =	swait.ge [sflag:s9], $0xA000  }
0x63: {  	[sflag:s9] =	ssyncset.done $0x0  }
0x64: {  	[sflag:s9] =	ssyncadd.s32 $0xFFFF6000  }
0x65: {  	_ =	sfence.sel $0x180000  }
0x66: {  	[bflag:$0x0] =	sbarrier.arrive $0xFFFF  }
0x67: {  	_ =	strace $0x90000047  }
0x68: {  	s0 =	stileid.u32;
	[bflag:$0x2] =	sbarrier.arrive $0xFFFF  }
0x69: {  	p0 =	sne.s32 s0, $0x0;
	s0 =	rddreg [dreg:$0x2]  }
0x6a: {  	s0 =	sadd.s32 @!p0 $0x100000, s0  }
0x6b: {  	[sflag:s0] =	ssyncadd.tile.s32 @!p0 $0x1;
	_ =	shalt  }
.Lfunc_end2:
_tile_overlayer_lowered:
.L_overlay_start_2:
0x6c: {  	(tag) =	ssettag $0x2  }
0x6d: {  	s0 =	rddreg [dreg:$0x0];
	s2 =	stileid.u32  }
0x6e: {  	s1 =	rddreg [dreg:$0x1];
	p0 =	sne.s32 s2, $0x0  }
0x6f: {  	s3 =	rddreg [dreg:$0x2];
	[bflag:$0x3] =	sbarrier.arrive $0xFFFF;
	s2 =	simm.s32 @!p0 $0x1C03  }
0x70: {  	[timem:s3], [sflag:s2] =	dma.local @!p0 [hbm:s0], s1  }
0x71: {  	s0 =	simm.s32 @!p0 $0x3  }
0x72: {  	_ =	swait.ge @!p0 [sflag:s0], s1  }
0x73: {  	s1 =	ssub.s32 @!p0 $0x0, s1;
	[sflag:s0] =	ssyncset.done @!p0 $0x0  }
0x74: {  	[sflag:s0] =	ssyncadd.s32 @!p0 s1  }
0x75: {  	[bflag:$0x3] =	sbarrier.arrive $0xFFFF  }
0x76: {  	_ =	shalt  }

// kernel: sparse-core-data-format-call.cloned.1.call-start
scs
called_computation_lowered:
.L_overlay_start_0:
0x0: {  	s2 =	sld [smem:$0x3FD9]  }
0x1: {  	s3 =	sld [smem:$0x3FFE];
	_ =	sdelay $0x1  }
0x2: {  	s1 =	srdreg.scid  }
0x3: {  	s0 =	sand.u32 $0x1, s1  }
0x4: {  	s18 =	sshll.u32 s0, $0xA;
	s2 =	sadd.s32 s3, s2  }
0x5: {  	s2 =	sadd.s32 s2, s18  }
0x6: {  	[smem:$0x3FC6] =	sst s2  }
0x7: {  	_ = 	snop  }
0x8: {  	s2 =	sld [smem:$0x3FD0];
	(tm) =	ssettm $0x1  }
0x9: {  	s19 =	sld [smem:$0x3FFB];
	_ =	sdelay $0x3  }
0xa: {  	_ =	strace s19  }
0xb: {  	s3 =	sld [smem:$0x3FFC];
	_ =	sdelay $0x3  }
0xc: {  	_ =	strace s3  }
0xd: {  	s3 =	sld [smem:$0x3FFD];
	_ =	sdelay $0x3  }
0xe: {  	_ =	strace s3  }
0xf: {  	_ =	strace $0x8FFFFFFF  }
0x10: {  	s20 =	sld [smem:$0x3FDB];
	_ =	sdelay $0x1  }
0x11: {  	s4 =	simm.s32 $_scs_section_size  }
0x12: {  	s5 =	simm.s32 $_size__tile_overlayer_lowered;
	s6 =	simm.s32 $_tile_overlayer_lowered  }
0x13: {  	s23 =	simm.s32 $0x1BFF;
	s22 =	sshll.u32 s6, $0x1;
	s3 =	sadd.s32 s4, s20  }
0x14: {  	s7 =	simm.s32 $0x0;
	s21 =	sshll.u32 s5, $0x1;
	s5 =	sadd.s32 s22, s3  }
0x15: {  	[timem:s7], [sflag:s23] =	dma.local [hbm:s5], s21  }
0x16: {  	_ =	swait.ge [sflag:s23], s21  }
0x17: {  	s4 =	ssub.s32 $0x0, s21;
	[sflag:s23] =	ssyncset.done $0x0  }
0x18: {  	[sflag:s23] =	ssyncadd.s32 s4;
	_ =	sdelay $0x1  }
0x19: {  	s24 =	simm.s32 $0x1B8B  }
0x1a: {  	_ =	swait.ge [sflag:s24], $0x1  }
0x1b: {  	[sflag:s24] =	ssyncset.done $0x0  }
0x1c: {  	s26 =	simm.s32 $0x1B8E;
	s25 =	sld [smem:$0x3FFE];
	[sflag:s24] =	ssyncadd.s32 $0xFFFFFFFF  }
0x1d: {  	s27 =	simm.s32 $execute0_lowered;
	[smem:$0x3FD2] =	sst s26  }
0x1e: {  	s5 =	sshll.u32 s27, $0x1;
	_ =	strace $0x80000049;
	[dreg:$0x1] =	wrdreg $0xFFFFFFFF  }
0x1f: {  	s28 =	simm.s32 $_size_execute0_lowered;
	s3 =	sadd.s32 s3, s5;
	[dreg:$0x0] =	wrdreg $0x0  }
0x20: {  	s5 =	sshll.u32 s28, $0x1;
	[dreg:$0x2] =	wrdreg s3  }
0x21: {  	[dreg:$0x3] =	wrdreg s5  }
0x22: {  	[dreg:$0x4] =	wrdreg $0xC0  }
0x23: {  	_ =	task [dreg:s7], $0x5FFFF  }
0x24: {  	[dreg:$0x1] =	wrdreg $0xFFFFFFFF  }
0x25: {  	[dreg:$0x0] =	wrdreg $0x60  }
0x26: {  	[dreg:$0x2] =	wrdreg s25  }
0x27: {  	[dreg:$0x3] =	wrdreg s2  }
0x28: {  	[dreg:$0x4] =	wrdreg $0x9  }
0x29: {  	_ =	task.clear_ibuf [dreg:s7], $0x5FFFF;
	_ =	strace $0x90000049  }
0x2a: {  	s29 =	simm.s32 $0x9;
	_ =	strace $0x8000004B  }
0x2b: {  	_ =	swait.ge [sflag:s29], $0x1  }
0x2c: {  	[sflag:s29] =	ssyncadd.s32 $0xFFFFFFFF  }
0x2d: {  	_ =	strace $0x9000004B  }
0x2e: {  	_ =	sfence  }
0x2f: {  	s30 =	sld [smem:$0x0];
	_ =	sdelay $0x2  }
0x30: {  	s31 =	sshll.u32 s1, $0xD;
	s1 =	sshrl.u32 s1, $0x2  }
0x31: {  	s3 =	sand.u32 $0x4000, s31;
	s1 =	sadd.s32 s1, s30  }
0x32: {  	s0 =	sor.u32 s3, s0;
	s1 =	sshll.u32 s1, $0x11  }
0x33: {  	s0 =	sor.u32 s1, s0  }
0x34: {  	s0 =	sadd.s32 $0x8F2B, s0  }
0x35: {  	[sflag:s0] =	ssyncadd.remote.s32 $0x1  }
0x36: {  	_ =	sfence.sel $0xFFFF  }
0x37: {  	[dreg:$0x0] =	wrdreg $0xFFFFFFFF;
	(pc) =	sbr.abs _section_cstart, $3  }
0x38: {  	[dreg:$0x1] =	wrdreg $0xFFFFFFFF  }
0x39: {  	_ =	task.clear_ibuf [dreg:s7], $0x2FFFF;
	_ =	strace $0x9FFFFFFF  }
0x3a: {  	(tm) =	ssettm $0x7FFFFFFF  }
0x3b: {  	_ =	shalt  }
tec
execute0_lowered:
.L_overlay_start_1:
0x0: {  	(tag) =	ssettag $0x1  }
0x1: {  	s0 =	srdreg.scid  }
0x2: {  	s1 =	sshll.u32 s0, $0x4  }
0x3: {  	s0 =	stileid.u32;
	s1 =	sand.u32 $0x10, s1  }
0x4: {  	s1 =	sor.u32 s0, s1  }
0x5: {  	s6 =	rddreg [dreg:$0x0];
	s4 =	simm.s32 $0x1;
	s2 =	sshll.u32 s1, $0x7  }
0x6: {  	s7 =	simm.s32 $0x2;
	s12 =	simm.s32 $0x0;
	s1 =	ssub.s32 $0x1000, s2  }
0x7: {  	s8 =	simm.s32 $0x8000;
	s13 =	simm.s32 $0x0;
	s3 =	sand.u32 $0xF80, s1  }
0x8: {  	s9 =	simm.s32 $0x0;
	s5 =	sshrl.u32 s1, $0xC;
	p0 =	sne.s32 s3, $0x0  }
.Ltmp0:
0x9: {  	s1 =	rddreg [dreg:$0x2];
	s4 =	simm.s32 @!p0 $0x0;
	(pc) =	sbr.rel .LBB1_1-.Ltmp0, $4  }
0xa: {  	s11 =	simm.s32 $0x0;
	s3 =	rddreg [dreg:$0x1];
	s5 =	sadd.s32 s4, s5  }
0xb: {  	_ =	strace $0x8000004A;
	s4 =	simm.s32 $0x1;
	s5 =	smul.u32 $0xC8, s5  }
0xc: {  	s6 =	sadd.s32 $0x800, s6;
	s10 =	smov.u32 s2;
	[sflag:s4] =	ssyncpa.u1 $0x0  }
0xd: {  	p0 =	por $0x0, $0x0;
	[sflag:s7] =	ssyncpa.u1 $0x0;
	s7 =	sor.u32 $0x1, s5  }
.LBB1_4:
0xe: {  	s16 =	sshll.u32 s13, $0x3;
	s17 =	sand.u32 $0x78, s13  }
0xf: {  	s30 =	sand.u32 $0x7E00, s13;
	s12 =	sshll.u32 s12, $0xF;
	s16 =	sand.u32 $0xC00, s16  }
0x10: {  	[tilespmem:s15+$0x810 ss:$0x81] =	vst.msk $0xffff, v2;
	s31 =	sand.u32 $0x7, s13;
	s16 =	sor.u32 s17, s16;
	s17 =	sadd.s32 s3, s30  }
0x11: {  	[tilespmem:s15+$0x1020 ss:$0x81] =	vst.msk $0xffff, v0;
	s13 =	sshll.u32 s31, $0x12;
	s12 =	sadd.s32 s12, s17;
	s16 =	sshrl.u32 s16, $0x3  }
0x12: {  	[tilespmem:s15+$0x0 ss:$0x81] =	vst.msk $0xffff, v1;
	s13 =	sor.u32 $0x400, s13;
	s12 =	sadd.s32 s16, s12  }
0x13: {  	[hbm4b:s12+s13] =	stream.strided.scatter [tilespmem:s14], [sflag:$0x2], $0x2000, s8, s13, $0x20;
	[tilespmem:$0x8080] =	vst v63  }
.LBB1_5:
0x14: {  	s14 =	sadd.s32 $0x1, s9  }
0x15: {  	s12 =	sadd.s32 $0x1000, s10;
	s16 =	smov.u32 s10;
	p2 =	sgt.s32 s14, $0xC7  }
0x16: {  	s16 =	smov.u32 @p2 s12  }
0x17: {  	s14 =	simm.s32 @p2 $0x0;
	p2 =	sgt.s32 s16, $0xFFF  }
0x18: {  	s16 =	smov.u32 @p2 s2;
	p2 =	sne.s32 s11, s7  }
.Ltmp1:
0x19: {  	p1 =	slt.u32 s11, $0x2;
	(pc) =	sbr.rel @!p2 .LBB1_6-.Ltmp1, $4  }
0x1a: {  	s15 =	simm.s32 @!p1 $0x2  }
0x1b: {  	s13 =	smov.u32 s10;
	p0 =	por !p0, !p0;
	_ =	swait.ge @!p1 [sflag:s15], $0x2000  }
0x1c: {  	s12 =	smov.u32 s9;
	[sflag:s15] =	ssyncset.done @!p1 $0x0;
	s9 =	smov.u32 s14  }
0x1d: {  	s11 =	sadd.s32 $0x1, s11;
	[sflag:s15] =	ssyncadd.s32 @!p1 $0xFFFFE000;
	s10 =	smov.u32 s16  }
.LBB1_1:
0x1e: {  	p1 =	sge.u32 s11, s5  }
0x1f: {  	s14 =	sand.u32 @!p1 $0x1FFFFFF, s9  }
0x20: {  	s15 =	smulhi.u32 @!p1 $0x147AE15, s14;
	_ =	sdelay $0x1  }
0x21: {  	s15 =	smul.u32 @!p1 $0xC8, s15  }
0x22: {  	s16 =	sxor.u32 @!p1 $0xFFFFFFFF, s11;
	s17 =	smul.u32 @!p1 $0xC80, s10  }
0x23: {  	s31 =	sadd.s32 $0xFFFFFFFF, s11;
	s16 =	sshll.u32 @!p1 s16, $0xD;
	s14 =	ssub.s32 @!p1 s14, s15  }
0x24: {  	s15 =	sand.u32 @!p1 $0x2000, s16;
	s16 =	sadd.s32 @!p1 s6, s17;
	s14 =	sshll.u32 @!p1 s14, $0x4  }
0x25: {  	s17 =	simm.s32 @!p1 $0x6400;
	s14 =	sadd.s32 @!p1 s14, s16;
	s16 =	simm.s32 @!p1 $0x40  }
0x26: {  	[tilespmem:s15], [sflag:$0x1] =	stream.strided.gather @!p1 [hbm4b:s14+s16], $0x2000, s17, s16, $0x38;
	[tilespmem:$0x8080] =	vst v63  }
0x27: {  	p1 =	sge.u32 s31, s5  }
.Ltmp2:
0x28: {  	_ = 	snop;
	(pc) =	sbr.rel @p1 .LBB1_5-.Ltmp2, $1  }
0x29: {  	_ =	sdelay $0x3  }
0x2a: {  	s14 =	simm.s32 $0x1  }
0x2b: {  	_ =	swait.ge [sflag:s4], $0x2000;
	s14 =	simm.s32 @!p0 $0x0  }
0x2c: {  	[sflag:s4] =	ssyncset.done $0x0;
	s15 =	sshll.u32 s14, $0xD  }
0x2d: {  	[sflag:s4] =	ssyncadd.s32 $0xFFFFE000;
	s18 =	sor.u32 $0x20, s15  }
0x2e: {  	s14 =	smul.u32 $0x8100, s14;
	v3 =	vld [tilespmem:s18+$0x10]  }
0x2f: {  	s30 =	sand.u32 $0x1, s11;
	v2 =	vld [tilespmem:s18+$0xFFFFFFF0]  }
0x30: {  	s15 =	smul.u32 $0x8100, s30;
	s14 =	sshrl.u32 s14, $0x2;
	v0 =	vld [tilespmem:s18+$0x0]  }
0x31: {  	v1 =	vld [tilespmem:s18+$0xFFFFFFE0];
	s16 =	sor.u32 $0x4000, s14  }
0x32: {  	s31 =	sshrl.u32 s15, $0x2;
	s15 =	sadd.s32 $0x0, s16  }
0x33: {  	s17 =	simm.s32 $0x4;
	s18 =	sadd.s32 $0x40, s18;
	s14 =	sor.u32 $0x4000, s31;
	[tilespmem:s15+$0x1830 ss:$0x81] =	vst.msk $0xffff, v3  }
.LBB1_3:
0x34: {  	v3 =	vld [tilespmem:s18+$0x10];
	p1 =	sne.s32 s17, $0x1FC;
	[tilespmem:s15+$0x810 ss:$0x81] =	vst.msk $0xffff, v2;
	s19 =	smov.u32 s17;
	s17 =	sadd.s32 $0x4, s17  }
.Ltmp3:
0x35: {  	v2 =	vld [tilespmem:s18+$0xFFFFFFF0];
	[tilespmem:s15+$0x1020 ss:$0x81] =	vst.msk $0xffff, v0;
	(pc) =	sbr.rel @p1 .LBB1_3-.Ltmp3, $4  }
0x36: {  	v0 =	vld [tilespmem:s18+$0x0];
	[tilespmem:s15+$0x0 ss:$0x81] =	vst.msk $0xffff, v1  }
0x37: {  	s15 =	sshra.s32 s19, $0x2;
	v1 =	vld [tilespmem:s18+$0xFFFFFFE0]  }
0x38: {  	s15 =	sadd.s32 s15, s16  }
0x39: {  	s18 =	sadd.s32 $0x40, s18;
	[tilespmem:s15+$0x1830 ss:$0x81] =	vst.msk $0xffff, v3  }
.Ltmp4:
0x3a: {  	_ = 	snop;
	(pc) =	sbr.rel .LBB1_4-.Ltmp4, $1  }
0x3b: {  	_ =	sdelay $0x3  }
.LBB1_6:
0x3c: {  	_ =	sfence.sel $0x180000  }
0x3d: {  	s2 =	simm.s32 $0x1;
	[bflag:$0x0] =	sbarrier.arrive $0xFFFF  }
0x3e: {  	s31 =	simm.s32 $0x2;
	[sflag:s2] =	ssyncpa.u1 $0x1  }
0x3f: {  	[sflag:s31] =	ssyncpa.u1 $0x1  }
0x40: {  	p0 =	sne.s32 s0, $0x0;
	_ =	strace $0x9000004A  }
0x41: {  	s0 =	sadd.s32 @!p0 $0x100000, s1;
	[bflag:$0x2] =	sbarrier.arrive $0xFFFF  }
0x42: {  	[sflag:s0] =	ssyncadd.tile.s32 @!p0 $0x1;
	_ =	shalt  }
.Lfunc_end1:
_tile_overlayer_lowered:
.L_overlay_start_2:
0x43: {  	(tag) =	ssettag $0x2  }
0x44: {  	s0 =	rddreg [dreg:$0x0];
	s2 =	stileid.u32  }
0x45: {  	s1 =	rddreg [dreg:$0x1];
	p0 =	sne.s32 s2, $0x0  }
0x46: {  	s3 =	rddreg [dreg:$0x2];
	[bflag:$0x3] =	sbarrier.arrive $0xFFFF;
	s2 =	simm.s32 @!p0 $0x1C01  }
0x47: {  	[timem:s3], [sflag:s2] =	dma.local @!p0 [hbm:s0], s1  }
0x48: {  	s0 =	simm.s32 @!p0 $0x1  }
0x49: {  	_ =	swait.ge @!p0 [sflag:s0], s1  }
0x4a: {  	s1 =	ssub.s32 @!p0 $0x0, s1;
	[sflag:s0] =	ssyncset.done @!p0 $0x0  }
0x4b: {  	[sflag:s0] =	ssyncadd.s32 @!p0 s1  }
0x4c: {  	[bflag:$0x3] =	sbarrier.arrive $0xFFFF  }
0x4d: {  	_ =	shalt  }

</sc_bundles>
